<compile_context>
chip_gen: v7x
topology: tpu7x:2x2x1
jax: 0.10.2.dev20260603
libtpu: 0.0.44.dev20260713+nightly
codegen_flags: <defaults>
</compile_context>

<pallas_src>
import jax
import jax.numpy as jnp
from jax import lax
from jax.experimental import pallas as pl
from jax.experimental.pallas import tpu as pltpu
from jax.experimental.pallas import tpu_sc as plsc

NC = 2
NS = 16
LANES = 16
EB = 128
ZR = 128


def _spmm_halves(src, cols, rows, laps, n_pad, hc, nb):
    mesh = plsc.VectorSubcoreMesh(core_axis_name="c", subcore_axis_name="s")
    rps = n_pad // NS
    nzc = rps // ZR
    jcount = hc // LANES

    def body(src_hbm, col_hbm, row_hbm, lap_hbm, t1_hbm, t2_hbm,
             colv, rowv, rbuf0, rbuf1, wbuf0, wbuf1, zbuf, acc, g0, g1):
        c = lax.axis_index("c")
        s = lax.axis_index("s")

        pltpu.sync_copy(col_hbm.at[s], colv)
        pltpu.sync_copy(row_hbm.at[s], rowv)

        def zb(i, carry):
            for j in range(jcount):
                zbuf[i, pl.ds(j * LANES, LANES)] = jnp.zeros(
                    (LANES,), jnp.float32)
            return carry
        lax.fori_loop(0, ZR, zb, 0)

        def zero_acc():
            for t in range(nzc):
                pltpu.sync_copy(zbuf, acc.at[pl.ds(s * rps + t * ZR, ZR)])

        def run_loop(gsrc):
            def issue(b, slot, wslot, sem):
                pltpu.async_copy(gsrc.at[colv.at[b]], slot, sem)
                pltpu.async_copy(lap_hbm.at[s].at[b], wslot, sem)

            def wait(b, slot, wslot, sem):
                pltpu.make_async_copy(gsrc.at[colv.at[b]], slot, sem).wait()
                pltpu.make_async_copy(lap_hbm.at[s].at[b],
                                      wslot, sem).wait()

            def process(b, slot, wslot):
                @plsc.parallel_loop(0, EB, step=1, unroll=8,
                                    carry=jnp.int32(0))
                def scale(e, carry2):
                    w = wslot[pl.ds(e * LANES, LANES)]
                    for j in range(jcount):
                        sl = pl.ds(j * LANES, LANES)
                        slot[e, sl] = slot[e, sl] * w
                    return carry2
                pltpu.sync_copy(slot, acc.at[rowv.at[b]], add=True)

            issue(0, rbuf0, wbuf0, g0)
            issue(1, rbuf1, wbuf1, g1)

            def pair(i, carry):
                b0 = 2 * i
                wait(b0, rbuf0, wbuf0, g0)
                process(b0, rbuf0, wbuf0)
                issue(jnp.minimum(b0 + 2, nb - 2), rbuf0, wbuf0, g0)
                b1 = b0 + 1
                wait(b1, rbuf1, wbuf1, g1)
                process(b1, rbuf1, wbuf1)
                issue(jnp.minimum(b1 + 2, nb - 1), rbuf1, wbuf1, g1)
                return carry
            lax.fori_loop(0, nb // 2, pair, 0)
            wait(nb - 2, rbuf0, wbuf0, g0)
            wait(nb - 1, rbuf1, wbuf1, g1)

        zero_acc()
        plsc.subcore_barrier()
        run_loop(src_hbm.at[c])
        plsc.subcore_barrier()
        pltpu.sync_copy(acc.at[pl.ds(s * rps, rps)],
                        t1_hbm.at[c].at[pl.ds(s * rps, rps)])
        zero_acc()
        plsc.subcore_barrier()

        run_loop(t1_hbm.at[c])
        plsc.subcore_barrier()
        pltpu.sync_copy(acc.at[pl.ds(s * rps, rps)],
                        t2_hbm.at[c].at[pl.ds(s * rps, rps)])

    call = pl.kernel(
        body,
        out_type=(jax.ShapeDtypeStruct((NC, n_pad, hc), jnp.float32),
                  jax.ShapeDtypeStruct((NC, n_pad, hc), jnp.float32)),
        mesh=mesh,
        scratch_types=(
            [pltpu.VMEM((nb, EB), jnp.int32)] * 2
            + [pltpu.VMEM((EB, hc), jnp.float32)] * 2
            + [pltpu.VMEM((EB * LANES,), jnp.float32)] * 2
            + [pltpu.VMEM((ZR, hc), jnp.float32)]
            + [pltpu.VMEM_SHARED((n_pad, hc), jnp.float32)]
            + [pltpu.SemaphoreType.DMA] * 2
        ),
        compiler_params=pltpu.CompilerParams(use_tc_tiling_on_sc=False),
        name="spmm_halves_sc",
    )
    return call(src, cols, rows, laps)


def _tc_combine(x, t1, t2, w0, w1, w2, bias2d, blk):
    n, ch = x.shape
    hc = t1.shape[2]

    def body(x_ref, t1a_ref, t1b_ref, t2a_ref, t2b_ref,
             w0_ref, w1_ref, w2_ref, b_ref, out_ref):
        w1v = w1_ref[...]
        w2v = w2_ref[...]
        acc = jnp.dot(x_ref[...], w0_ref[...] - w2v,
                      preferred_element_type=jnp.float32)
        acc += jnp.dot(t1a_ref[...], w1v[:hc],
                       preferred_element_type=jnp.float32)
        acc += jnp.dot(t1b_ref[...], w1v[hc:],
                       preferred_element_type=jnp.float32)
        acc += 2.0 * jnp.dot(t2a_ref[...], w2v[:hc],
                             preferred_element_type=jnp.float32)
        acc += 2.0 * jnp.dot(t2b_ref[...], w2v[hc:],
                             preferred_element_type=jnp.float32)
        out_ref[...] = acc + b_ref[...]

    row_spec = pl.BlockSpec((blk, ch), lambda i: (i, 0))
    half_spec = pl.BlockSpec((blk, hc), lambda i: (i, 0))
    w_spec = pl.BlockSpec((ch, ch), lambda i: (0, 0))
    b_spec = pl.BlockSpec((1, ch), lambda i: (0, 0))
    return pl.pallas_call(
        body,
        grid=(n // blk,),
        in_specs=[row_spec, half_spec, half_spec, half_spec, half_spec,
                  w_spec, w_spec, w_spec, b_spec],
        out_specs=row_spec,
        out_shape=jax.ShapeDtypeStruct((n, ch), jnp.float32),
        name="cheb_tc_combine",
    )(x, t1[0], t1[1], t2[0], t2[1], w0, w1, w2, bias2d)


def kernel(x, edge_index, lap, weight, bias):
    n_nodes, n_ch = x.shape
    n_edges = edge_index.shape[1]
    hc = n_ch // 2

    per_s = -(-n_edges // (NS * 2 * EB)) * (2 * EB)
    nb = per_s // EB
    e_pad = NS * per_s
    pad = e_pad - n_edges
    cols = jnp.pad(edge_index[1], (0, pad)).reshape(NS, nb, EB)
    rows = jnp.pad(edge_index[0], (0, pad)).reshape(NS, nb, EB)
    laps = jnp.repeat(jnp.pad(lap, (0, pad)), LANES).reshape(
        NS, nb, EB * LANES)

    n_pad = -(-n_nodes // (ZR * NS)) * (ZR * NS)

    xs = jnp.stack([x[:, :hc], x[:, hc:]])

    t1, t2 = _spmm_halves(xs, cols, rows, laps, n_pad, hc, nb)

    blk = 1000 if n_nodes % 1000 == 0 else n_nodes
    return _tc_combine(x, t1, t2,
                       weight[0], weight[1], weight[2],
                       bias.reshape(1, n_ch), blk)

# --- scband reference (transcript-rebuilt; emitter-appended) ---
"""Pipeline reference for scband-gcncheb-19662360281153 (READ-ONLY COPY).

The authoritative reference and input builder live on the scoring server;
editing this copy changes nothing except your own understanding.
"""

import jax, jax.numpy as jnp
import numpy as np
import math

N_NODES = 10000
N_EDGES = 320000
IN_CH = 128
OUT_CH = 128
K = 3


def spmm(edge_index, value, num_nodes, mat):
    # sparse (num_nodes x num_nodes) @ dense (num_nodes x d)
    # edge_index[0] = row (dst), edge_index[1] = col (src), value = nonzero entries
    row = edge_index[0]
    col = edge_index[1]
    gathered = jnp.take(mat, col, axis=0) * value[:, None]
    return jax.ops.segment_sum(gathered, row, num_segments=num_nodes)


def setup_inputs(seed: int = 0) -> dict:
    key = jax.random.key(seed)
    k1, k2, k3, k4, k5 = jax.random.split(key, 5)
    x = jax.random.normal(k1, (N_NODES, IN_CH), dtype=jnp.float32)
    edge_index = jax.random.randint(k2, (2, N_EDGES), 0, N_NODES, dtype=jnp.int32)
    lap = jax.random.uniform(k3, (N_EDGES,), dtype=jnp.float32)
    # parameters, init per reset_parameters: uniform(-stdv, stdv), stdv = 1/sqrt(in_channels*K)
    stdv = 1.0 / math.sqrt(IN_CH * K)
    weight = jax.random.uniform(k4, (K, IN_CH, OUT_CH), minval=-stdv, maxval=stdv, dtype=jnp.float32)
    bias = jax.random.uniform(k5, (OUT_CH,), minval=-stdv, maxval=stdv, dtype=jnp.float32)
    return {"x": x, "edge_index": edge_index, "lap": lap, "weight": weight, "bias": bias}


def reference(x, edge_index, lap, weight, bias):
    num_nodes = x.shape[0]
    Tx_0 = x
    out = jnp.dot(Tx_0, weight[0])
    if K > 1:
        Tx_1 = spmm(edge_index, lap, num_nodes, x)
        out = out + jnp.dot(Tx_1, weight[1])
    for k in range(2, K):
        Tx_2 = 2.0 * spmm(edge_index, lap, num_nodes, Tx_1) - Tx_0
        out = out + jnp.dot(Tx_2, weight[k])
        Tx_0, Tx_1 = Tx_1, Tx_2
    out = out + bias
    return out

if __name__ == "__main__":
    import jax
    _d = setup_inputs()
    print(jax.jit(kernel)(*tuple(_d.values())))

</pallas_src>

<mosaic_0001>
#map = affine_map<(d0, d1) -> (0, 0, 0)>
module attributes {stable_mosaic.version = 14 : i64} {
  func.func @spmm_halves_sc(%arg0: i32, %arg1: i32, %arg2: memref<2x10000x64xf32, #tpu.memory_space<hbm>>, %arg3: memref<16x158x128xi32, #tpu.memory_space<hbm>>, %arg4: memref<16x158x128xi32, #tpu.memory_space<hbm>>, %arg5: memref<16x158x2048xf32, #tpu.memory_space<hbm>>, %arg6: memref<2x10240x64xf32, #tpu.memory_space<hbm>>, %arg7: memref<2x10240x64xf32, #tpu.memory_space<hbm>>, %arg8: memref<158x128xi32, #tpu.memory_space<vmem>>, %arg9: memref<158x128xi32, #tpu.memory_space<vmem>>, %arg10: memref<128x64xf32, #tpu.memory_space<vmem>>, %arg11: memref<128x64xf32, #tpu.memory_space<vmem>>, %arg12: memref<2048xf32, #tpu.memory_space<vmem>>, %arg13: memref<2048xf32, #tpu.memory_space<vmem>>, %arg14: memref<128x64xf32, #tpu.memory_space<vmem>>, %arg15: memref<10240x64xf32, #tpu.memory_space<vmem_shared>>, %arg16: memref<!tpu.dma_semaphore, #tpu.memory_space<semaphore_mem>>, %arg17: memref<!tpu.dma_semaphore, #tpu.memory_space<semaphore_mem>>) attributes {dimension_semantics = [#tpu.dimension_semantics<core_parallel>, #tpu.dimension_semantics<subcore_parallel>], iteration_bounds = array<i64: 2, 16>, scalar_prefetch = 0 : i64, scratch_operands = 10 : i64, tpu.core_type = #tpu.core_type<sc_vector_subcore>, window_params = [{transform_indices = #map}, {transform_indices = #map}, {transform_indices = #map}, {transform_indices = #map}, {transform_indices = #map}, {transform_indices = #map}]} {
    "tpu.region"() ({
      %run_scoped3A = tpu.sem_alloc : memref<!tpu.dma_semaphore, #tpu.memory_space<semaphore_mem>>
      %dma_start3A_272 = arith.constant 0 : i32
      %dma_start3A_273 = arith.constant 0 : i32
      %dma_start3A_274 = tpu.memref_slice %arg3[%arg1, %dma_start3A_272, %dma_start3A_273] : memref<16x158x128xi32, #tpu.memory_space<hbm>> -> memref<1x158x128xi32, #tpu.memory_space<hbm>>
      %dma_start3A_275 = tpu.memref_squeeze %dma_start3A_274 : memref<1x158x128xi32, #tpu.memory_space<hbm>> -> memref<158x128xi32, #tpu.memory_space<hbm>>
      %dma_start3A_276 = arith.constant 0 : i32
      %dma_start3A_277 = arith.constant 0 : i32
      %dma_start3A_278 = tpu.memref_slice %arg3[%arg1, %dma_start3A_276, %dma_start3A_277] : memref<16x158x128xi32, #tpu.memory_space<hbm>> -> memref<1x158x128xi32, #tpu.memory_space<hbm>>
      %dma_start3A_279 = tpu.memref_squeeze %dma_start3A_278 : memref<1x158x128xi32, #tpu.memory_space<hbm>> -> memref<158x128xi32, #tpu.memory_space<hbm>>
      tpu.enqueue_dma source(%dma_start3A_279 : memref<158x128xi32, #tpu.memory_space<hbm>>) target(%arg8 : memref<158x128xi32, #tpu.memory_space<vmem>>) target_semaphore(%run_scoped3A : memref<!tpu.dma_semaphore, #tpu.memory_space<semaphore_mem>>)
      %dma_wait3A_280 = arith.constant 0 : i32
      %dma_wait3A_281 = arith.constant 0 : i32
      %dma_wait3A_282 = tpu.memref_slice %arg3[%arg1, %dma_wait3A_280, %dma_wait3A_281] : memref<16x158x128xi32, #tpu.memory_space<hbm>> -> memref<1x158x128xi32, #tpu.memory_space<hbm>>
      %dma_wait3A_283 = tpu.memref_squeeze %dma_wait3A_282 : memref<1x158x128xi32, #tpu.memory_space<hbm>> -> memref<158x128xi32, #tpu.memory_space<hbm>>
      %dma_wait3A_284 = arith.constant 0 : i32
      %dma_wait3A_285 = arith.constant 0 : i32
      %dma_wait3A_286 = tpu.memref_slice %arg3[%arg1, %dma_wait3A_284, %dma_wait3A_285] : memref<16x158x128xi32, #tpu.memory_space<hbm>> -> memref<1x158x128xi32, #tpu.memory_space<hbm>>
      %dma_wait3A_287 = tpu.memref_squeeze %dma_wait3A_286 : memref<1x158x128xi32, #tpu.memory_space<hbm>> -> memref<158x128xi32, #tpu.memory_space<hbm>>
      tpu.wait_dma2 semaphore(%run_scoped3A : memref<!tpu.dma_semaphore, #tpu.memory_space<semaphore_mem>>) src(%dma_wait3A_287 : memref<158x128xi32, #tpu.memory_space<hbm>>) dst(%arg8 : memref<158x128xi32, #tpu.memory_space<vmem>>)
      tpu.yield
    }) : () -> ()
    "tpu.region"() ({
      %run_scoped3A = tpu.sem_alloc : memref<!tpu.dma_semaphore, #tpu.memory_space<semaphore_mem>>
      %dma_start3A_272 = arith.constant 0 : i32
      %dma_start3A_273 = arith.constant 0 : i32
      %dma_start3A_274 = tpu.memref_slice %arg4[%arg1, %dma_start3A_272, %dma_start3A_273] : memref<16x158x128xi32, #tpu.memory_space<hbm>> -> memref<1x158x128xi32, #tpu.memory_space<hbm>>
      %dma_start3A_275 = tpu.memref_squeeze %dma_start3A_274 : memref<1x158x128xi32, #tpu.memory_space<hbm>> -> memref<158x128xi32, #tpu.memory_space<hbm>>
      %dma_start3A_276 = arith.constant 0 : i32
      %dma_start3A_277 = arith.constant 0 : i32
      %dma_start3A_278 = tpu.memref_slice %arg4[%arg1, %dma_start3A_276, %dma_start3A_277] : memref<16x158x128xi32, #tpu.memory_space<hbm>> -> memref<1x158x128xi32, #tpu.memory_space<hbm>>
      %dma_start3A_279 = tpu.memref_squeeze %dma_start3A_278 : memref<1x158x128xi32, #tpu.memory_space<hbm>> -> memref<158x128xi32, #tpu.memory_space<hbm>>
      tpu.enqueue_dma source(%dma_start3A_279 : memref<158x128xi32, #tpu.memory_space<hbm>>) target(%arg9 : memref<158x128xi32, #tpu.memory_space<vmem>>) target_semaphore(%run_scoped3A : memref<!tpu.dma_semaphore, #tpu.memory_space<semaphore_mem>>)
      %dma_wait3A_280 = arith.constant 0 : i32
      %dma_wait3A_281 = arith.constant 0 : i32
      %dma_wait3A_282 = tpu.memref_slice %arg4[%arg1, %dma_wait3A_280, %dma_wait3A_281] : memref<16x158x128xi32, #tpu.memory_space<hbm>> -> memref<1x158x128xi32, #tpu.memory_space<hbm>>
      %dma_wait3A_283 = tpu.memref_squeeze %dma_wait3A_282 : memref<1x158x128xi32, #tpu.memory_space<hbm>> -> memref<158x128xi32, #tpu.memory_space<hbm>>
      %dma_wait3A_284 = arith.constant 0 : i32
      %dma_wait3A_285 = arith.constant 0 : i32
      %dma_wait3A_286 = tpu.memref_slice %arg4[%arg1, %dma_wait3A_284, %dma_wait3A_285] : memref<16x158x128xi32, #tpu.memory_space<hbm>> -> memref<1x158x128xi32, #tpu.memory_space<hbm>>
      %dma_wait3A_287 = tpu.memref_squeeze %dma_wait3A_286 : memref<1x158x128xi32, #tpu.memory_space<hbm>> -> memref<158x128xi32, #tpu.memory_space<hbm>>
      tpu.wait_dma2 semaphore(%run_scoped3A : memref<!tpu.dma_semaphore, #tpu.memory_space<semaphore_mem>>) src(%dma_wait3A_287 : memref<158x128xi32, #tpu.memory_space<hbm>>) dst(%arg9 : memref<158x128xi32, #tpu.memory_space<vmem>>)
      tpu.yield
    }) : () -> ()
    %scan3A = arith.constant 0 : i32
    %scan3A_0 = arith.constant 0 : i32
    %scan3A_1 = arith.constant 128 : i32
    %scan3A_2 = arith.addi %scan3A_0, %scan3A_1 : i32
    %scan3A_3 = arith.constant 1 : i32
    scf.for %scan3A_272 = %scan3A_0 to %scan3A_2 step %scan3A_3  : i32 {
      %broadcast_in_dim3A = arith.constant 0.000000e+00 : f32
      %broadcast_in_dim3A_273 = vector.broadcast %broadcast_in_dim3A : f32 to vector<16xf32>
      %swap3A = arith.index_cast %scan3A_272 : i32 to index
      %swap3A_274 = arith.constant 0 : index
      %swap3A_275 = tpu.vector_load %arg14[%swap3A, %swap3A_274] {strides = array<i32>} : memref<128x64xf32, #tpu.memory_space<vmem>>, vector<1x16xf32>,
      %swap3A_276 = vector.shape_cast %swap3A_275 : vector<1x16xf32> to vector<16xf32>
      %swap3A_277 = vector.shape_cast %broadcast_in_dim3A_273 : vector<16xf32> to vector<1x16xf32>
      tpu.vector_store %arg14[%swap3A, %swap3A_274], %swap3A_277 {strides = array<i32>} : memref<128x64xf32, #tpu.memory_space<vmem>>, vector<1x16xf32>,
      %broadcast_in_dim3A_278 = arith.constant 0.000000e+00 : f32
      %broadcast_in_dim3A_279 = vector.broadcast %broadcast_in_dim3A_278 : f32 to vector<16xf32>
      %swap3A_280 = arith.index_cast %scan3A_272 : i32 to index
      %swap3A_281 = arith.constant 16 : index
      %swap3A_282 = tpu.vector_load %arg14[%swap3A_280, %swap3A_281] {strides = array<i32>} : memref<128x64xf32, #tpu.memory_space<vmem>>, vector<1x16xf32>,
      %swap3A_283 = vector.shape_cast %swap3A_282 : vector<1x16xf32> to vector<16xf32>
      %swap3A_284 = vector.shape_cast %broadcast_in_dim3A_279 : vector<16xf32> to vector<1x16xf32>
      tpu.vector_store %arg14[%swap3A_280, %swap3A_281], %swap3A_284 {strides = array<i32>} : memref<128x64xf32, #tpu.memory_space<vmem>>, vector<1x16xf32>,
      %broadcast_in_dim3A_285 = arith.constant 0.000000e+00 : f32
      %broadcast_in_dim3A_286 = vector.broadcast %broadcast_in_dim3A_285 : f32 to vector<16xf32>
      %swap3A_287 = arith.index_cast %scan3A_272 : i32 to index
      %swap3A_288 = arith.constant 32 : index
      %swap3A_289 = tpu.vector_load %arg14[%swap3A_287, %swap3A_288] {strides = array<i32>} : memref<128x64xf32, #tpu.memory_space<vmem>>, vector<1x16xf32>,
      %swap3A_290 = vector.shape_cast %swap3A_289 : vector<1x16xf32> to vector<16xf32>
      %swap3A_291 = vector.shape_cast %broadcast_in_dim3A_286 : vector<16xf32> to vector<1x16xf32>
      tpu.vector_store %arg14[%swap3A_287, %swap3A_288], %swap3A_291 {strides = array<i32>} : memref<128x64xf32, #tpu.memory_space<vmem>>, vector<1x16xf32>,
      %broadcast_in_dim3A_292 = arith.constant 0.000000e+00 : f32
      %broadcast_in_dim3A_293 = vector.broadcast %broadcast_in_dim3A_292 : f32 to vector<16xf32>
      %swap3A_294 = arith.index_cast %scan3A_272 : i32 to index
      %swap3A_295 = arith.constant 48 : index
      %swap3A_296 = tpu.vector_load %arg14[%swap3A_294, %swap3A_295] {strides = array<i32>} : memref<128x64xf32, #tpu.memory_space<vmem>>, vector<1x16xf32>,
      %swap3A_297 = vector.shape_cast %swap3A_296 : vector<1x16xf32> to vector<16xf32>
      %swap3A_298 = vector.shape_cast %broadcast_in_dim3A_293 : vector<16xf32> to vector<1x16xf32>
      tpu.vector_store %arg14[%swap3A_294, %swap3A_295], %swap3A_298 {strides = array<i32>} : memref<128x64xf32, #tpu.memory_space<vmem>>, vector<1x16xf32>,
    }
    %scan3A_4 = arith.constant 128 : i32
    %mul3A = arith.constant 640 : i32
    %mul3A_5 = arith.muli %arg1, %mul3A : i32
    %add3A = arith.constant 0 : i32
    %add3A_6 = arith.addi %mul3A_5, %add3A : i32
    "tpu.region"() ({
      %run_scoped3A = tpu.sem_alloc : memref<!tpu.dma_semaphore, #tpu.memory_space<semaphore_mem>>
      %dma_start3A_272 = arith.constant 0 : i32
      %dma_start3A_273 = tpu.memref_slice %arg15[%add3A_6, %dma_start3A_272] : memref<10240x64xf32, #tpu.memory_space<vmem_shared>> -> memref<128x64xf32, #tpu.memory_space<vmem_shared>>
      %dma_start3A_274 = arith.constant 0 : i32
      %dma_start3A_275 = tpu.memref_slice %arg15[%add3A_6, %dma_start3A_274] : memref<10240x64xf32, #tpu.memory_space<vmem_shared>> -> memref<128x64xf32, #tpu.memory_space<vmem_shared>>
      tpu.enqueue_dma source(%arg14 : memref<128x64xf32, #tpu.memory_space<vmem>>) target(%dma_start3A_275 : memref<128x64xf32, #tpu.memory_space<vmem_shared>>) target_semaphore(%run_scoped3A : memref<!tpu.dma_semaphore, #tpu.memory_space<semaphore_mem>>)
      %dma_wait3A_276 = arith.constant 0 : i32
      %dma_wait3A_277 = tpu.memref_slice %arg15[%add3A_6, %dma_wait3A_276] : memref<10240x64xf32, #tpu.memory_space<vmem_shared>> -> memref<128x64xf32, #tpu.memory_space<vmem_shared>>
      %dma_wait3A_278 = arith.constant 0 : i32
      %dma_wait3A_279 = tpu.memref_slice %arg15[%add3A_6, %dma_wait3A_278] : memref<10240x64xf32, #tpu.memory_space<vmem_shared>> -> memref<128x64xf32, #tpu.memory_space<vmem_shared>>
      tpu.wait_dma2 semaphore(%run_scoped3A : memref<!tpu.dma_semaphore, #tpu.memory_space<semaphore_mem>>) src(%arg14 : memref<128x64xf32, #tpu.memory_space<vmem>>) dst(%dma_wait3A_279 : memref<128x64xf32, #tpu.memory_space<vmem_shared>>)
      tpu.yield
    }) : () -> ()
    %mul3A_7 = arith.constant 640 : i32
    %mul3A_8 = arith.muli %arg1, %mul3A_7 : i32
    %add3A_9 = arith.constant 128 : i32
    %add3A_10 = arith.addi %mul3A_8, %add3A_9 : i32
    "tpu.region"() ({
      %run_scoped3A = tpu.sem_alloc : memref<!tpu.dma_semaphore, #tpu.memory_space<semaphore_mem>>
      %dma_start3A_272 = arith.constant 0 : i32
      %dma_start3A_273 = tpu.memref_slice %arg15[%add3A_10, %dma_start3A_272] : memref<10240x64xf32, #tpu.memory_space<vmem_shared>> -> memref<128x64xf32, #tpu.memory_space<vmem_shared>>
      %dma_start3A_274 = arith.constant 0 : i32
      %dma_start3A_275 = tpu.memref_slice %arg15[%add3A_10, %dma_start3A_274] : memref<10240x64xf32, #tpu.memory_space<vmem_shared>> -> memref<128x64xf32, #tpu.memory_space<vmem_shared>>
      tpu.enqueue_dma source(%arg14 : memref<128x64xf32, #tpu.memory_space<vmem>>) target(%dma_start3A_275 : memref<128x64xf32, #tpu.memory_space<vmem_shared>>) target_semaphore(%run_scoped3A : memref<!tpu.dma_semaphore, #tpu.memory_space<semaphore_mem>>)
      %dma_wait3A_276 = arith.constant 0 : i32
      %dma_wait3A_277 = tpu.memref_slice %arg15[%add3A_10, %dma_wait3A_276] : memref<10240x64xf32, #tpu.memory_space<vmem_shared>> -> memref<128x64xf32, #tpu.memory_space<vmem_shared>>
      %dma_wait3A_278 = arith.constant 0 : i32
      %dma_wait3A_279 = tpu.memref_slice %arg15[%add3A_10, %dma_wait3A_278] : memref<10240x64xf32, #tpu.memory_space<vmem_shared>> -> memref<128x64xf32, #tpu.memory_space<vmem_shared>>
      tpu.wait_dma2 semaphore(%run_scoped3A : memref<!tpu.dma_semaphore, #tpu.memory_space<semaphore_mem>>) src(%arg14 : memref<128x64xf32, #tpu.memory_space<vmem>>) dst(%dma_wait3A_279 : memref<128x64xf32, #tpu.memory_space<vmem_shared>>)
      tpu.yield
    }) : () -> ()
    %mul3A_11 = arith.constant 640 : i32
    %mul3A_12 = arith.muli %arg1, %mul3A_11 : i32
    %add3A_13 = arith.constant 256 : i32
    %add3A_14 = arith.addi %mul3A_12, %add3A_13 : i32
    "tpu.region"() ({
      %run_scoped3A = tpu.sem_alloc : memref<!tpu.dma_semaphore, #tpu.memory_space<semaphore_mem>>
      %dma_start3A_272 = arith.constant 0 : i32
      %dma_start3A_273 = tpu.memref_slice %arg15[%add3A_14, %dma_start3A_272] : memref<10240x64xf32, #tpu.memory_space<vmem_shared>> -> memref<128x64xf32, #tpu.memory_space<vmem_shared>>
      %dma_start3A_274 = arith.constant 0 : i32
      %dma_start3A_275 = tpu.memref_slice %arg15[%add3A_14, %dma_start3A_274] : memref<10240x64xf32, #tpu.memory_space<vmem_shared>> -> memref<128x64xf32, #tpu.memory_space<vmem_shared>>
      tpu.enqueue_dma source(%arg14 : memref<128x64xf32, #tpu.memory_space<vmem>>) target(%dma_start3A_275 : memref<128x64xf32, #tpu.memory_space<vmem_shared>>) target_semaphore(%run_scoped3A : memref<!tpu.dma_semaphore, #tpu.memory_space<semaphore_mem>>)
      %dma_wait3A_276 = arith.constant 0 : i32
      %dma_wait3A_277 = tpu.memref_slice %arg15[%add3A_14, %dma_wait3A_276] : memref<10240x64xf32, #tpu.memory_space<vmem_shared>> -> memref<128x64xf32, #tpu.memory_space<vmem_shared>>
      %dma_wait3A_278 = arith.constant 0 : i32
      %dma_wait3A_279 = tpu.memref_slice %arg15[%add3A_14, %dma_wait3A_278] : memref<10240x64xf32, #tpu.memory_space<vmem_shared>> -> memref<128x64xf32, #tpu.memory_space<vmem_shared>>
      tpu.wait_dma2 semaphore(%run_scoped3A : memref<!tpu.dma_semaphore, #tpu.memory_space<semaphore_mem>>) src(%arg14 : memref<128x64xf32, #tpu.memory_space<vmem>>) dst(%dma_wait3A_279 : memref<128x64xf32, #tpu.memory_space<vmem_shared>>)
      tpu.yield
    }) : () -> ()
    %mul3A_15 = arith.constant 640 : i32
    %mul3A_16 = arith.muli %arg1, %mul3A_15 : i32
    %add3A_17 = arith.constant 384 : i32
    %add3A_18 = arith.addi %mul3A_16, %add3A_17 : i32
    "tpu.region"() ({
      %run_scoped3A = tpu.sem_alloc : memref<!tpu.dma_semaphore, #tpu.memory_space<semaphore_mem>>
      %dma_start3A_272 = arith.constant 0 : i32
      %dma_start3A_273 = tpu.memref_slice %arg15[%add3A_18, %dma_start3A_272] : memref<10240x64xf32, #tpu.memory_space<vmem_shared>> -> memref<128x64xf32, #tpu.memory_space<vmem_shared>>
      %dma_start3A_274 = arith.constant 0 : i32
      %dma_start3A_275 = tpu.memref_slice %arg15[%add3A_18, %dma_start3A_274] : memref<10240x64xf32, #tpu.memory_space<vmem_shared>> -> memref<128x64xf32, #tpu.memory_space<vmem_shared>>
      tpu.enqueue_dma source(%arg14 : memref<128x64xf32, #tpu.memory_space<vmem>>) target(%dma_start3A_275 : memref<128x64xf32, #tpu.memory_space<vmem_shared>>) target_semaphore(%run_scoped3A : memref<!tpu.dma_semaphore, #tpu.memory_space<semaphore_mem>>)
      %dma_wait3A_276 = arith.constant 0 : i32
      %dma_wait3A_277 = tpu.memref_slice %arg15[%add3A_18, %dma_wait3A_276] : memref<10240x64xf32, #tpu.memory_space<vmem_shared>> -> memref<128x64xf32, #tpu.memory_space<vmem_shared>>
      %dma_wait3A_278 = arith.constant 0 : i32
      %dma_wait3A_279 = tpu.memref_slice %arg15[%add3A_18, %dma_wait3A_278] : memref<10240x64xf32, #tpu.memory_space<vmem_shared>> -> memref<128x64xf32, #tpu.memory_space<vmem_shared>>
      tpu.wait_dma2 semaphore(%run_scoped3A : memref<!tpu.dma_semaphore, #tpu.memory_space<semaphore_mem>>) src(%arg14 : memref<128x64xf32, #tpu.memory_space<vmem>>) dst(%dma_wait3A_279 : memref<128x64xf32, #tpu.memory_space<vmem_shared>>)
      tpu.yield
    }) : () -> ()
    %mul3A_19 = arith.constant 640 : i32
    %mul3A_20 = arith.muli %arg1, %mul3A_19 : i32
    %add3A_21 = arith.constant 512 : i32
    %add3A_22 = arith.addi %mul3A_20, %add3A_21 : i32
    "tpu.region"() ({
      %run_scoped3A = tpu.sem_alloc : memref<!tpu.dma_semaphore, #tpu.memory_space<semaphore_mem>>
      %dma_start3A_272 = arith.constant 0 : i32
      %dma_start3A_273 = tpu.memref_slice %arg15[%add3A_22, %dma_start3A_272] : memref<10240x64xf32, #tpu.memory_space<vmem_shared>> -> memref<128x64xf32, #tpu.memory_space<vmem_shared>>
      %dma_start3A_274 = arith.constant 0 : i32
      %dma_start3A_275 = tpu.memref_slice %arg15[%add3A_22, %dma_start3A_274] : memref<10240x64xf32, #tpu.memory_space<vmem_shared>> -> memref<128x64xf32, #tpu.memory_space<vmem_shared>>
      tpu.enqueue_dma source(%arg14 : memref<128x64xf32, #tpu.memory_space<vmem>>) target(%dma_start3A_275 : memref<128x64xf32, #tpu.memory_space<vmem_shared>>) target_semaphore(%run_scoped3A : memref<!tpu.dma_semaphore, #tpu.memory_space<semaphore_mem>>)
      %dma_wait3A_276 = arith.constant 0 : i32
      %dma_wait3A_277 = tpu.memref_slice %arg15[%add3A_22, %dma_wait3A_276] : memref<10240x64xf32, #tpu.memory_space<vmem_shared>> -> memref<128x64xf32, #tpu.memory_space<vmem_shared>>
      %dma_wait3A_278 = arith.constant 0 : i32
      %dma_wait3A_279 = tpu.memref_slice %arg15[%add3A_22, %dma_wait3A_278] : memref<10240x64xf32, #tpu.memory_space<vmem_shared>> -> memref<128x64xf32, #tpu.memory_space<vmem_shared>>
      tpu.wait_dma2 semaphore(%run_scoped3A : memref<!tpu.dma_semaphore, #tpu.memory_space<semaphore_mem>>) src(%arg14 : memref<128x64xf32, #tpu.memory_space<vmem>>) dst(%dma_wait3A_279 : memref<128x64xf32, #tpu.memory_space<vmem_shared>>)
      tpu.yield
    }) : () -> ()
    %barrier3A = arith.constant 0 : index
    tpu.barrier barrier_id(%barrier3A)
    %dma_start3A = arith.constant 0 : i32
    %dma_start3A_23 = arith.constant 0 : i32
    %dma_start3A_24 = tpu.memref_slice %arg8[%dma_start3A, %dma_start3A_23] : memref<158x128xi32, #tpu.memory_space<vmem>> -> memref<1x128xi32, #tpu.memory_space<vmem>>
    %dma_start3A_25 = tpu.memref_squeeze %dma_start3A_24 : memref<1x128xi32, #tpu.memory_space<vmem>> -> memref<128xi32, #tpu.memory_space<vmem>>
    %dma_start3A_26 = arith.constant 0 : i32
    %dma_start3A_27 = arith.constant 0 : i32
    %dma_start3A_28 = tpu.memref_slice %arg2[%arg0, %dma_start3A_26, %dma_start3A_27] : memref<2x10000x64xf32, #tpu.memory_space<hbm>> -> memref<1x10000x64xf32, #tpu.memory_space<hbm>>
    %dma_start3A_29 = tpu.memref_squeeze %dma_start3A_28 : memref<1x10000x64xf32, #tpu.memory_space<hbm>> -> memref<10000x64xf32, #tpu.memory_space<hbm>>
    %dma_start3A_30 = arith.constant 0 : i32
    %dma_start3A_31 = arith.constant 0 : i32
    %dma_start3A_32 = tpu.memref_slice %dma_start3A_29[%dma_start3A_30, %dma_start3A_31] : memref<10000x64xf32, #tpu.memory_space<hbm>> -> memref<10000x64xf32, #tpu.memory_space<hbm>>
    tpu.enqueue_indirect_dma source(%dma_start3A_32 : memref<10000x64xf32, #tpu.memory_space<hbm>>) target(%arg10 : memref<128x64xf32, #tpu.memory_space<vmem>>) offsets(%dma_start3A_25 : memref<128xi32, #tpu.memory_space<vmem>>) semaphore(%arg16 : memref<!tpu.dma_semaphore, #tpu.memory_space<semaphore_mem>>)
    %dma_start3A_33 = arith.constant 0 : i32
    %dma_start3A_34 = arith.constant 0 : i32
    %dma_start3A_35 = arith.constant 0 : i32
    %dma_start3A_36 = tpu.memref_slice %arg5[%arg1, %dma_start3A_34, %dma_start3A_35] : memref<16x158x2048xf32, #tpu.memory_space<hbm>> -> memref<1x158x2048xf32, #tpu.memory_space<hbm>>
    %dma_start3A_37 = tpu.memref_squeeze %dma_start3A_36 : memref<1x158x2048xf32, #tpu.memory_space<hbm>> -> memref<158x2048xf32, #tpu.memory_space<hbm>>
    %dma_start3A_38 = arith.constant 0 : i32
    %dma_start3A_39 = tpu.memref_slice %dma_start3A_37[%dma_start3A_33, %dma_start3A_38] : memref<158x2048xf32, #tpu.memory_space<hbm>> -> memref<1x2048xf32, #tpu.memory_space<hbm>>
    %dma_start3A_40 = tpu.memref_squeeze %dma_start3A_39 : memref<1x2048xf32, #tpu.memory_space<hbm>> -> memref<2048xf32, #tpu.memory_space<hbm>>
    %dma_start3A_41 = arith.constant 0 : i32
    %dma_start3A_42 = arith.constant 0 : i32
    %dma_start3A_43 = tpu.memref_slice %arg5[%arg1, %dma_start3A_41, %dma_start3A_42] : memref<16x158x2048xf32, #tpu.memory_space<hbm>> -> memref<1x158x2048xf32, #tpu.memory_space<hbm>>
    %dma_start3A_44 = tpu.memref_squeeze %dma_start3A_43 : memref<1x158x2048xf32, #tpu.memory_space<hbm>> -> memref<158x2048xf32, #tpu.memory_space<hbm>>
    %dma_start3A_45 = arith.constant 0 : i32
    %dma_start3A_46 = tpu.memref_slice %dma_start3A_44[%dma_start3A_33, %dma_start3A_45] : memref<158x2048xf32, #tpu.memory_space<hbm>> -> memref<1x2048xf32, #tpu.memory_space<hbm>>
    %dma_start3A_47 = tpu.memref_squeeze %dma_start3A_46 : memref<1x2048xf32, #tpu.memory_space<hbm>> -> memref<2048xf32, #tpu.memory_space<hbm>>
    tpu.enqueue_dma source(%dma_start3A_47 : memref<2048xf32, #tpu.memory_space<hbm>>) target(%arg12 : memref<2048xf32, #tpu.memory_space<vmem>>) target_semaphore(%arg16 : memref<!tpu.dma_semaphore, #tpu.memory_space<semaphore_mem>>)
    %dma_start3A_48 = arith.constant 1 : i32
    %dma_start3A_49 = arith.constant 0 : i32
    %dma_start3A_50 = tpu.memref_slice %arg8[%dma_start3A_48, %dma_start3A_49] : memref<158x128xi32, #tpu.memory_space<vmem>> -> memref<1x128xi32, #tpu.memory_space<vmem>>
    %dma_start3A_51 = tpu.memref_squeeze %dma_start3A_50 : memref<1x128xi32, #tpu.memory_space<vmem>> -> memref<128xi32, #tpu.memory_space<vmem>>
    %dma_start3A_52 = arith.constant 0 : i32
    %dma_start3A_53 = arith.constant 0 : i32
    %dma_start3A_54 = tpu.memref_slice %arg2[%arg0, %dma_start3A_52, %dma_start3A_53] : memref<2x10000x64xf32, #tpu.memory_space<hbm>> -> memref<1x10000x64xf32, #tpu.memory_space<hbm>>
    %dma_start3A_55 = tpu.memref_squeeze %dma_start3A_54 : memref<1x10000x64xf32, #tpu.memory_space<hbm>> -> memref<10000x64xf32, #tpu.memory_space<hbm>>
    %dma_start3A_56 = arith.constant 0 : i32
    %dma_start3A_57 = arith.constant 0 : i32
    %dma_start3A_58 = tpu.memref_slice %dma_start3A_55[%dma_start3A_56, %dma_start3A_57] : memref<10000x64xf32, #tpu.memory_space<hbm>> -> memref<10000x64xf32, #tpu.memory_space<hbm>>
    tpu.enqueue_indirect_dma source(%dma_start3A_58 : memref<10000x64xf32, #tpu.memory_space<hbm>>) target(%arg11 : memref<128x64xf32, #tpu.memory_space<vmem>>) offsets(%dma_start3A_51 : memref<128xi32, #tpu.memory_space<vmem>>) semaphore(%arg17 : memref<!tpu.dma_semaphore, #tpu.memory_space<semaphore_mem>>)
    %dma_start3A_59 = arith.constant 1 : i32
    %dma_start3A_60 = arith.constant 0 : i32
    %dma_start3A_61 = arith.constant 0 : i32
    %dma_start3A_62 = tpu.memref_slice %arg5[%arg1, %dma_start3A_60, %dma_start3A_61] : memref<16x158x2048xf32, #tpu.memory_space<hbm>> -> memref<1x158x2048xf32, #tpu.memory_space<hbm>>
    %dma_start3A_63 = tpu.memref_squeeze %dma_start3A_62 : memref<1x158x2048xf32, #tpu.memory_space<hbm>> -> memref<158x2048xf32, #tpu.memory_space<hbm>>
    %dma_start3A_64 = arith.constant 0 : i32
    %dma_start3A_65 = tpu.memref_slice %dma_start3A_63[%dma_start3A_59, %dma_start3A_64] : memref<158x2048xf32, #tpu.memory_space<hbm>> -> memref<1x2048xf32, #tpu.memory_space<hbm>>
    %dma_start3A_66 = tpu.memref_squeeze %dma_start3A_65 : memref<1x2048xf32, #tpu.memory_space<hbm>> -> memref<2048xf32, #tpu.memory_space<hbm>>
    %dma_start3A_67 = arith.constant 0 : i32
    %dma_start3A_68 = arith.constant 0 : i32
    %dma_start3A_69 = tpu.memref_slice %arg5[%arg1, %dma_start3A_67, %dma_start3A_68] : memref<16x158x2048xf32, #tpu.memory_space<hbm>> -> memref<1x158x2048xf32, #tpu.memory_space<hbm>>
    %dma_start3A_70 = tpu.memref_squeeze %dma_start3A_69 : memref<1x158x2048xf32, #tpu.memory_space<hbm>> -> memref<158x2048xf32, #tpu.memory_space<hbm>>
    %dma_start3A_71 = arith.constant 0 : i32
    %dma_start3A_72 = tpu.memref_slice %dma_start3A_70[%dma_start3A_59, %dma_start3A_71] : memref<158x2048xf32, #tpu.memory_space<hbm>> -> memref<1x2048xf32, #tpu.memory_space<hbm>>
    %dma_start3A_73 = tpu.memref_squeeze %dma_start3A_72 : memref<1x2048xf32, #tpu.memory_space<hbm>> -> memref<2048xf32, #tpu.memory_space<hbm>>
    tpu.enqueue_dma source(%dma_start3A_73 : memref<2048xf32, #tpu.memory_space<hbm>>) target(%arg13 : memref<2048xf32, #tpu.memory_space<vmem>>) target_semaphore(%arg17 : memref<!tpu.dma_semaphore, #tpu.memory_space<semaphore_mem>>)
    %scan3A_74 = arith.constant 0 : i32
    %scan3A_75 = arith.constant 0 : i32
    %scan3A_76 = arith.constant 79 : i32
    %scan3A_77 = arith.addi %scan3A_75, %scan3A_76 : i32
    %scan3A_78 = arith.constant 1 : i32
    scf.for %scan3A_272 = %scan3A_75 to %scan3A_77 step %scan3A_78  : i32 {
      %mul3A_273 = arith.constant 2 : i32
      %mul3A_274 = arith.muli %mul3A_273, %scan3A_272 : i32
      %dma_wait3A_275 = arith.constant 0 : i32
      %dma_wait3A_276 = tpu.memref_slice %arg8[%mul3A_274, %dma_wait3A_275] : memref<158x128xi32, #tpu.memory_space<vmem>> -> memref<1x128xi32, #tpu.memory_space<vmem>>
      %dma_wait3A_277 = tpu.memref_squeeze %dma_wait3A_276 : memref<1x128xi32, #tpu.memory_space<vmem>> -> memref<128xi32, #tpu.memory_space<vmem>>
      %dma_wait3A_278 = arith.constant 0 : i32
      %dma_wait3A_279 = arith.constant 0 : i32
      %dma_wait3A_280 = tpu.memref_slice %arg2[%arg0, %dma_wait3A_278, %dma_wait3A_279] : memref<2x10000x64xf32, #tpu.memory_space<hbm>> -> memref<1x10000x64xf32, #tpu.memory_space<hbm>>
      %dma_wait3A_281 = tpu.memref_squeeze %dma_wait3A_280 : memref<1x10000x64xf32, #tpu.memory_space<hbm>> -> memref<10000x64xf32, #tpu.memory_space<hbm>>
      %dma_wait3A_282 = arith.constant 0 : i32
      %dma_wait3A_283 = arith.constant 0 : i32
      %dma_wait3A_284 = tpu.memref_slice %dma_wait3A_281[%dma_wait3A_282, %dma_wait3A_283] : memref<10000x64xf32, #tpu.memory_space<hbm>> -> memref<10000x64xf32, #tpu.memory_space<hbm>>
      tpu.wait_indirect_dma semaphore(%arg16 : memref<!tpu.dma_semaphore, #tpu.memory_space<semaphore_mem>>) src(%dma_wait3A_284 : memref<10000x64xf32, #tpu.memory_space<hbm>>) dst(%arg10 : memref<128x64xf32, #tpu.memory_space<vmem>>)
      %dma_wait3A_285 = arith.constant 0 : i32
      %dma_wait3A_286 = arith.constant 0 : i32
      %dma_wait3A_287 = tpu.memref_slice %arg5[%arg1, %dma_wait3A_285, %dma_wait3A_286] : memref<16x158x2048xf32, #tpu.memory_space<hbm>> -> memref<1x158x2048xf32, #tpu.memory_space<hbm>>
      %dma_wait3A_288 = tpu.memref_squeeze %dma_wait3A_287 : memref<1x158x2048xf32, #tpu.memory_space<hbm>> -> memref<158x2048xf32, #tpu.memory_space<hbm>>
      %dma_wait3A_289 = arith.constant 0 : i32
      %dma_wait3A_290 = tpu.memref_slice %dma_wait3A_288[%mul3A_274, %dma_wait3A_289] : memref<158x2048xf32, #tpu.memory_space<hbm>> -> memref<1x2048xf32, #tpu.memory_space<hbm>>
      %dma_wait3A_291 = tpu.memref_squeeze %dma_wait3A_290 : memref<1x2048xf32, #tpu.memory_space<hbm>> -> memref<2048xf32, #tpu.memory_space<hbm>>
      %dma_wait3A_292 = arith.constant 0 : i32
      %dma_wait3A_293 = arith.constant 0 : i32
      %dma_wait3A_294 = tpu.memref_slice %arg5[%arg1, %dma_wait3A_292, %dma_wait3A_293] : memref<16x158x2048xf32, #tpu.memory_space<hbm>> -> memref<1x158x2048xf32, #tpu.memory_space<hbm>>
      %dma_wait3A_295 = tpu.memref_squeeze %dma_wait3A_294 : memref<1x158x2048xf32, #tpu.memory_space<hbm>> -> memref<158x2048xf32, #tpu.memory_space<hbm>>
      %dma_wait3A_296 = arith.constant 0 : i32
      %dma_wait3A_297 = tpu.memref_slice %dma_wait3A_295[%mul3A_274, %dma_wait3A_296] : memref<158x2048xf32, #tpu.memory_space<hbm>> -> memref<1x2048xf32, #tpu.memory_space<hbm>>
      %dma_wait3A_298 = tpu.memref_squeeze %dma_wait3A_297 : memref<1x2048xf32, #tpu.memory_space<hbm>> -> memref<2048xf32, #tpu.memory_space<hbm>>
      tpu.wait_dma2 semaphore(%arg16 : memref<!tpu.dma_semaphore, #tpu.memory_space<semaphore_mem>>) src(%dma_wait3A_298 : memref<2048xf32, #tpu.memory_space<hbm>>) dst(%arg12 : memref<2048xf32, #tpu.memory_space<vmem>>)
      %parallel_loop3A = arith.constant 0 : i32
      %parallel_loop3A_299 = arith.constant 128 : i32
      %parallel_loop3A_300 = arith.constant 1 : i32
      %parallel_loop3A_301 = arith.constant 0 : i32
      %parallel_loop3A_302 = scf.for %parallel_loop3A_389 = %parallel_loop3A to %parallel_loop3A_299 step %parallel_loop3A_300 iter_args(%parallel_loop3A_390 = %parallel_loop3A_301) -> (i32)  : i32 {
        %parallel_loop3A_391 = arith.constant 16 : i32
        %parallel_loop3A_392 = arith.muli %parallel_loop3A_389, %parallel_loop3A_391 : i32
        %parallel_loop3A_393 = arith.index_cast %parallel_loop3A_392 : i32 to index
        %parallel_loop3A_394 = tpu.vector_load %arg12[%parallel_loop3A_393] {strides = array<i32>} : memref<2048xf32, #tpu.memory_space<vmem>>, vector<16xf32>,
        %parallel_loop3A_395 = vector.shape_cast %parallel_loop3A_394 : vector<16xf32> to vector<16xf32>
        %parallel_loop3A_396 = arith.index_cast %parallel_loop3A_389 : i32 to index
        %parallel_loop3A_397 = arith.constant 0 : index
        %parallel_loop3A_398 = tpu.vector_load %arg10[%parallel_loop3A_396, %parallel_loop3A_397] {strides = array<i32>} : memref<128x64xf32, #tpu.memory_space<vmem>>, vector<1x16xf32>,
        %parallel_loop3A_399 = vector.shape_cast %parallel_loop3A_398 : vector<1x16xf32> to vector<16xf32>
        %parallel_loop3A_400 = arith.mulf %parallel_loop3A_399, %parallel_loop3A_395 : vector<16xf32>
        %parallel_loop3A_401 = arith.index_cast %parallel_loop3A_389 : i32 to index
        %parallel_loop3A_402 = arith.constant 0 : index
        %parallel_loop3A_403 = tpu.vector_load %arg10[%parallel_loop3A_401, %parallel_loop3A_402] {strides = array<i32>} : memref<128x64xf32, #tpu.memory_space<vmem>>, vector<1x16xf32>,
        %parallel_loop3A_404 = vector.shape_cast %parallel_loop3A_403 : vector<1x16xf32> to vector<16xf32>
        %parallel_loop3A_405 = vector.shape_cast %parallel_loop3A_400 : vector<16xf32> to vector<1x16xf32>
        tpu.vector_store %arg10[%parallel_loop3A_401, %parallel_loop3A_402], %parallel_loop3A_405 {strides = array<i32>} : memref<128x64xf32, #tpu.memory_space<vmem>>, vector<1x16xf32>,
        %parallel_loop3A_406 = arith.index_cast %parallel_loop3A_389 : i32 to index
        %parallel_loop3A_407 = arith.constant 16 : index
        %parallel_loop3A_408 = tpu.vector_load %arg10[%parallel_loop3A_406, %parallel_loop3A_407] {strides = array<i32>} : memref<128x64xf32, #tpu.memory_space<vmem>>, vector<1x16xf32>,
        %parallel_loop3A_409 = vector.shape_cast %parallel_loop3A_408 : vector<1x16xf32> to vector<16xf32>
        %parallel_loop3A_410 = arith.mulf %parallel_loop3A_409, %parallel_loop3A_395 : vector<16xf32>
        %parallel_loop3A_411 = arith.index_cast %parallel_loop3A_389 : i32 to index
        %parallel_loop3A_412 = arith.constant 16 : index
        %parallel_loop3A_413 = tpu.vector_load %arg10[%parallel_loop3A_411, %parallel_loop3A_412] {strides = array<i32>} : memref<128x64xf32, #tpu.memory_space<vmem>>, vector<1x16xf32>,
        %parallel_loop3A_414 = vector.shape_cast %parallel_loop3A_413 : vector<1x16xf32> to vector<16xf32>
        %parallel_loop3A_415 = vector.shape_cast %parallel_loop3A_410 : vector<16xf32> to vector<1x16xf32>
        tpu.vector_store %arg10[%parallel_loop3A_411, %parallel_loop3A_412], %parallel_loop3A_415 {strides = array<i32>} : memref<128x64xf32, #tpu.memory_space<vmem>>, vector<1x16xf32>,
        %parallel_loop3A_416 = arith.index_cast %parallel_loop3A_389 : i32 to index
        %parallel_loop3A_417 = arith.constant 32 : index
        %parallel_loop3A_418 = tpu.vector_load %arg10[%parallel_loop3A_416, %parallel_loop3A_417] {strides = array<i32>} : memref<128x64xf32, #tpu.memory_space<vmem>>, vector<1x16xf32>,
        %parallel_loop3A_419 = vector.shape_cast %parallel_loop3A_418 : vector<1x16xf32> to vector<16xf32>
        %parallel_loop3A_420 = arith.mulf %parallel_loop3A_419, %parallel_loop3A_395 : vector<16xf32>
        %parallel_loop3A_421 = arith.index_cast %parallel_loop3A_389 : i32 to index
        %parallel_loop3A_422 = arith.constant 32 : index
        %parallel_loop3A_423 = tpu.vector_load %arg10[%parallel_loop3A_421, %parallel_loop3A_422] {strides = array<i32>} : memref<128x64xf32, #tpu.memory_space<vmem>>, vector<1x16xf32>,
        %parallel_loop3A_424 = vector.shape_cast %parallel_loop3A_423 : vector<1x16xf32> to vector<16xf32>
        %parallel_loop3A_425 = vector.shape_cast %parallel_loop3A_420 : vector<16xf32> to vector<1x16xf32>
        tpu.vector_store %arg10[%parallel_loop3A_421, %parallel_loop3A_422], %parallel_loop3A_425 {strides = array<i32>} : memref<128x64xf32, #tpu.memory_space<vmem>>, vector<1x16xf32>,
        %parallel_loop3A_426 = arith.index_cast %parallel_loop3A_389 : i32 to index
        %parallel_loop3A_427 = arith.constant 48 : index
        %parallel_loop3A_428 = tpu.vector_load %arg10[%parallel_loop3A_426, %parallel_loop3A_427] {strides = array<i32>} : memref<128x64xf32, #tpu.memory_space<vmem>>, vector<1x16xf32>,
        %parallel_loop3A_429 = vector.shape_cast %parallel_loop3A_428 : vector<1x16xf32> to vector<16xf32>
        %parallel_loop3A_430 = arith.mulf %parallel_loop3A_429, %parallel_loop3A_395 : vector<16xf32>
        %parallel_loop3A_431 = arith.index_cast %parallel_loop3A_389 : i32 to index
        %parallel_loop3A_432 = arith.constant 48 : index
        %parallel_loop3A_433 = tpu.vector_load %arg10[%parallel_loop3A_431, %parallel_loop3A_432] {strides = array<i32>} : memref<128x64xf32, #tpu.memory_space<vmem>>, vector<1x16xf32>,
        %parallel_loop3A_434 = vector.shape_cast %parallel_loop3A_433 : vector<1x16xf32> to vector<16xf32>
        %parallel_loop3A_435 = vector.shape_cast %parallel_loop3A_430 : vector<16xf32> to vector<1x16xf32>
        tpu.vector_store %arg10[%parallel_loop3A_431, %parallel_loop3A_432], %parallel_loop3A_435 {strides = array<i32>} : memref<128x64xf32, #tpu.memory_space<vmem>>, vector<1x16xf32>,
        scf.yield %parallel_loop3A_390 : i32
      } {sc.loop_unroll_factor = 8 : i64, sc.parallel_access}
      "tpu.region"() ({
        %run_scoped3A = tpu.sem_alloc : memref<!tpu.dma_semaphore, #tpu.memory_space<semaphore_mem>>
        %dma_start3A_389 = arith.constant 0 : i32
        %dma_start3A_390 = tpu.memref_slice %arg9[%mul3A_274, %dma_start3A_389] : memref<158x128xi32, #tpu.memory_space<vmem>> -> memref<1x128xi32, #tpu.memory_space<vmem>>
        %dma_start3A_391 = tpu.memref_squeeze %dma_start3A_390 : memref<1x128xi32, #tpu.memory_space<vmem>> -> memref<128xi32, #tpu.memory_space<vmem>>
        %dma_start3A_392 = arith.constant 0 : i32
        %dma_start3A_393 = arith.constant 0 : i32
        %dma_start3A_394 = tpu.memref_slice %arg15[%dma_start3A_392, %dma_start3A_393] : memref<10240x64xf32, #tpu.memory_space<vmem_shared>> -> memref<10240x64xf32, #tpu.memory_space<vmem_shared>>
        tpu.enqueue_indirect_dma source(%arg10 : memref<128x64xf32, #tpu.memory_space<vmem>>) target(%dma_start3A_394 : memref<10240x64xf32, #tpu.memory_space<vmem_shared>>) offsets(%dma_start3A_391 : memref<128xi32, #tpu.memory_space<vmem>>) semaphore(%run_scoped3A : memref<!tpu.dma_semaphore, #tpu.memory_space<semaphore_mem>>) {add = true}
        %dma_wait3A_395 = arith.constant 0 : i32
        %dma_wait3A_396 = tpu.memref_slice %arg9[%mul3A_274, %dma_wait3A_395] : memref<158x128xi32, #tpu.memory_space<vmem>> -> memref<1x128xi32, #tpu.memory_space<vmem>>
        %dma_wait3A_397 = tpu.memref_squeeze %dma_wait3A_396 : memref<1x128xi32, #tpu.memory_space<vmem>> -> memref<128xi32, #tpu.memory_space<vmem>>
        %dma_wait3A_398 = arith.constant 0 : i32
        %dma_wait3A_399 = arith.constant 0 : i32
        %dma_wait3A_400 = tpu.memref_slice %arg15[%dma_wait3A_398, %dma_wait3A_399] : memref<10240x64xf32, #tpu.memory_space<vmem_shared>> -> memref<10240x64xf32, #tpu.memory_space<vmem_shared>>
        tpu.wait_indirect_dma semaphore(%run_scoped3A : memref<!tpu.dma_semaphore, #tpu.memory_space<semaphore_mem>>) src(%arg10 : memref<128x64xf32, #tpu.memory_space<vmem>>) dst(%dma_wait3A_400 : memref<10240x64xf32, #tpu.memory_space<vmem_shared>>)
        tpu.yield
      }) : () -> ()
      %add3A_303 = arith.constant 2 : i32
      %add3A_304 = arith.addi %mul3A_274, %add3A_303 : i32
      %min3A = arith.constant 156 : i32
      %min3A_305 = arith.minsi %add3A_304, %min3A : i32
      %dma_start3A_306 = arith.constant 0 : i32
      %dma_start3A_307 = tpu.memref_slice %arg8[%min3A_305, %dma_start3A_306] : memref<158x128xi32, #tpu.memory_space<vmem>> -> memref<1x128xi32, #tpu.memory_space<vmem>>
      %dma_start3A_308 = tpu.memref_squeeze %dma_start3A_307 : memref<1x128xi32, #tpu.memory_space<vmem>> -> memref<128xi32, #tpu.memory_space<vmem>>
      %dma_start3A_309 = arith.constant 0 : i32
      %dma_start3A_310 = arith.constant 0 : i32
      %dma_start3A_311 = tpu.memref_slice %arg2[%arg0, %dma_start3A_309, %dma_start3A_310] : memref<2x10000x64xf32, #tpu.memory_space<hbm>> -> memref<1x10000x64xf32, #tpu.memory_space<hbm>>
      %dma_start3A_312 = tpu.memref_squeeze %dma_start3A_311 : memref<1x10000x64xf32, #tpu.memory_space<hbm>> -> memref<10000x64xf32, #tpu.memory_space<hbm>>
      %dma_start3A_313 = arith.constant 0 : i32
      %dma_start3A_314 = arith.constant 0 : i32
      %dma_start3A_315 = tpu.memref_slice %dma_start3A_312[%dma_start3A_313, %dma_start3A_314] : memref<10000x64xf32, #tpu.memory_space<hbm>> -> memref<10000x64xf32, #tpu.memory_space<hbm>>
      tpu.enqueue_indirect_dma source(%dma_start3A_315 : memref<10000x64xf32, #tpu.memory_space<hbm>>) target(%arg10 : memref<128x64xf32, #tpu.memory_space<vmem>>) offsets(%dma_start3A_308 : memref<128xi32, #tpu.memory_space<vmem>>) semaphore(%arg16 : memref<!tpu.dma_semaphore, #tpu.memory_space<semaphore_mem>>)
      %dma_start3A_316 = arith.constant 0 : i32
      %dma_start3A_317 = arith.constant 0 : i32
      %dma_start3A_318 = tpu.memref_slice %arg5[%arg1, %dma_start3A_316, %dma_start3A_317] : memref<16x158x2048xf32, #tpu.memory_space<hbm>> -> memref<1x158x2048xf32, #tpu.memory_space<hbm>>
      %dma_start3A_319 = tpu.memref_squeeze %dma_start3A_318 : memref<1x158x2048xf32, #tpu.memory_space<hbm>> -> memref<158x2048xf32, #tpu.memory_space<hbm>>
      %dma_start3A_320 = arith.constant 0 : i32
      %dma_start3A_321 = tpu.memref_slice %dma_start3A_319[%min3A_305, %dma_start3A_320] : memref<158x2048xf32, #tpu.memory_space<hbm>> -> memref<1x2048xf32, #tpu.memory_space<hbm>>
      %dma_start3A_322 = tpu.memref_squeeze %dma_start3A_321 : memref<1x2048xf32, #tpu.memory_space<hbm>> -> memref<2048xf32, #tpu.memory_space<hbm>>
      %dma_start3A_323 = arith.constant 0 : i32
      %dma_start3A_324 = arith.constant 0 : i32
      %dma_start3A_325 = tpu.memref_slice %arg5[%arg1, %dma_start3A_323, %dma_start3A_324] : memref<16x158x2048xf32, #tpu.memory_space<hbm>> -> memref<1x158x2048xf32, #tpu.memory_space<hbm>>
      %dma_start3A_326 = tpu.memref_squeeze %dma_start3A_325 : memref<1x158x2048xf32, #tpu.memory_space<hbm>> -> memref<158x2048xf32, #tpu.memory_space<hbm>>
      %dma_start3A_327 = arith.constant 0 : i32
      %dma_start3A_328 = tpu.memref_slice %dma_start3A_326[%min3A_305, %dma_start3A_327] : memref<158x2048xf32, #tpu.memory_space<hbm>> -> memref<1x2048xf32, #tpu.memory_space<hbm>>
      %dma_start3A_329 = tpu.memref_squeeze %dma_start3A_328 : memref<1x2048xf32, #tpu.memory_space<hbm>> -> memref<2048xf32, #tpu.memory_space<hbm>>
      tpu.enqueue_dma source(%dma_start3A_329 : memref<2048xf32, #tpu.memory_space<hbm>>) target(%arg12 : memref<2048xf32, #tpu.memory_space<vmem>>) target_semaphore(%arg16 : memref<!tpu.dma_semaphore, #tpu.memory_space<semaphore_mem>>)
      %add3A_330 = arith.constant 1 : i32
      %add3A_331 = arith.addi %mul3A_274, %add3A_330 : i32
      %dma_wait3A_332 = arith.constant 0 : i32
      %dma_wait3A_333 = tpu.memref_slice %arg8[%add3A_331, %dma_wait3A_332] : memref<158x128xi32, #tpu.memory_space<vmem>> -> memref<1x128xi32, #tpu.memory_space<vmem>>
      %dma_wait3A_334 = tpu.memref_squeeze %dma_wait3A_333 : memref<1x128xi32, #tpu.memory_space<vmem>> -> memref<128xi32, #tpu.memory_space<vmem>>
      %dma_wait3A_335 = arith.constant 0 : i32
      %dma_wait3A_336 = arith.constant 0 : i32
      %dma_wait3A_337 = tpu.memref_slice %arg2[%arg0, %dma_wait3A_335, %dma_wait3A_336] : memref<2x10000x64xf32, #tpu.memory_space<hbm>> -> memref<1x10000x64xf32, #tpu.memory_space<hbm>>
      %dma_wait3A_338 = tpu.memref_squeeze %dma_wait3A_337 : memref<1x10000x64xf32, #tpu.memory_space<hbm>> -> memref<10000x64xf32, #tpu.memory_space<hbm>>
      %dma_wait3A_339 = arith.constant 0 : i32
      %dma_wait3A_340 = arith.constant 0 : i32
      %dma_wait3A_341 = tpu.memref_slice %dma_wait3A_338[%dma_wait3A_339, %dma_wait3A_340] : memref<10000x64xf32, #tpu.memory_space<hbm>> -> memref<10000x64xf32, #tpu.memory_space<hbm>>
      tpu.wait_indirect_dma semaphore(%arg17 : memref<!tpu.dma_semaphore, #tpu.memory_space<semaphore_mem>>) src(%dma_wait3A_341 : memref<10000x64xf32, #tpu.memory_space<hbm>>) dst(%arg11 : memref<128x64xf32, #tpu.memory_space<vmem>>)
      %dma_wait3A_342 = arith.constant 0 : i32
      %dma_wait3A_343 = arith.constant 0 : i32
      %dma_wait3A_344 = tpu.memref_slice %arg5[%arg1, %dma_wait3A_342, %dma_wait3A_343] : memref<16x158x2048xf32, #tpu.memory_space<hbm>> -> memref<1x158x2048xf32, #tpu.memory_space<hbm>>
      %dma_wait3A_345 = tpu.memref_squeeze %dma_wait3A_344 : memref<1x158x2048xf32, #tpu.memory_space<hbm>> -> memref<158x2048xf32, #tpu.memory_space<hbm>>
      %dma_wait3A_346 = arith.constant 0 : i32
      %dma_wait3A_347 = tpu.memref_slice %dma_wait3A_345[%add3A_331, %dma_wait3A_346] : memref<158x2048xf32, #tpu.memory_space<hbm>> -> memref<1x2048xf32, #tpu.memory_space<hbm>>
      %dma_wait3A_348 = tpu.memref_squeeze %dma_wait3A_347 : memref<1x2048xf32, #tpu.memory_space<hbm>> -> memref<2048xf32, #tpu.memory_space<hbm>>
      %dma_wait3A_349 = arith.constant 0 : i32
      %dma_wait3A_350 = arith.constant 0 : i32
      %dma_wait3A_351 = tpu.memref_slice %arg5[%arg1, %dma_wait3A_349, %dma_wait3A_350] : memref<16x158x2048xf32, #tpu.memory_space<hbm>> -> memref<1x158x2048xf32, #tpu.memory_space<hbm>>
      %dma_wait3A_352 = tpu.memref_squeeze %dma_wait3A_351 : memref<1x158x2048xf32, #tpu.memory_space<hbm>> -> memref<158x2048xf32, #tpu.memory_space<hbm>>
      %dma_wait3A_353 = arith.constant 0 : i32
      %dma_wait3A_354 = tpu.memref_slice %dma_wait3A_352[%add3A_331, %dma_wait3A_353] : memref<158x2048xf32, #tpu.memory_space<hbm>> -> memref<1x2048xf32, #tpu.memory_space<hbm>>
      %dma_wait3A_355 = tpu.memref_squeeze %dma_wait3A_354 : memref<1x2048xf32, #tpu.memory_space<hbm>> -> memref<2048xf32, #tpu.memory_space<hbm>>
      tpu.wait_dma2 semaphore(%arg17 : memref<!tpu.dma_semaphore, #tpu.memory_space<semaphore_mem>>) src(%dma_wait3A_355 : memref<2048xf32, #tpu.memory_space<hbm>>) dst(%arg13 : memref<2048xf32, #tpu.memory_space<vmem>>)
      %parallel_loop3A_356 = arith.constant 0 : i32
      %parallel_loop3A_357 = arith.constant 128 : i32
      %parallel_loop3A_358 = arith.constant 1 : i32
      %parallel_loop3A_359 = arith.constant 0 : i32
      %parallel_loop3A_360 = scf.for %parallel_loop3A_389 = %parallel_loop3A_356 to %parallel_loop3A_357 step %parallel_loop3A_358 iter_args(%parallel_loop3A_390 = %parallel_loop3A_359) -> (i32)  : i32 {
        %parallel_loop3A_391 = arith.constant 16 : i32
        %parallel_loop3A_392 = arith.muli %parallel_loop3A_389, %parallel_loop3A_391 : i32
        %parallel_loop3A_393 = arith.index_cast %parallel_loop3A_392 : i32 to index
        %parallel_loop3A_394 = tpu.vector_load %arg13[%parallel_loop3A_393] {strides = array<i32>} : memref<2048xf32, #tpu.memory_space<vmem>>, vector<16xf32>,
        %parallel_loop3A_395 = vector.shape_cast %parallel_loop3A_394 : vector<16xf32> to vector<16xf32>
        %parallel_loop3A_396 = arith.index_cast %parallel_loop3A_389 : i32 to index
        %parallel_loop3A_397 = arith.constant 0 : index
        %parallel_loop3A_398 = tpu.vector_load %arg11[%parallel_loop3A_396, %parallel_loop3A_397] {strides = array<i32>} : memref<128x64xf32, #tpu.memory_space<vmem>>, vector<1x16xf32>,
        %parallel_loop3A_399 = vector.shape_cast %parallel_loop3A_398 : vector<1x16xf32> to vector<16xf32>
        %parallel_loop3A_400 = arith.mulf %parallel_loop3A_399, %parallel_loop3A_395 : vector<16xf32>
        %parallel_loop3A_401 = arith.index_cast %parallel_loop3A_389 : i32 to index
        %parallel_loop3A_402 = arith.constant 0 : index
        %parallel_loop3A_403 = tpu.vector_load %arg11[%parallel_loop3A_401, %parallel_loop3A_402] {strides = array<i32>} : memref<128x64xf32, #tpu.memory_space<vmem>>, vector<1x16xf32>,
        %parallel_loop3A_404 = vector.shape_cast %parallel_loop3A_403 : vector<1x16xf32> to vector<16xf32>
        %parallel_loop3A_405 = vector.shape_cast %parallel_loop3A_400 : vector<16xf32> to vector<1x16xf32>
        tpu.vector_store %arg11[%parallel_loop3A_401, %parallel_loop3A_402], %parallel_loop3A_405 {strides = array<i32>} : memref<128x64xf32, #tpu.memory_space<vmem>>, vector<1x16xf32>,
        %parallel_loop3A_406 = arith.index_cast %parallel_loop3A_389 : i32 to index
        %parallel_loop3A_407 = arith.constant 16 : index
        %parallel_loop3A_408 = tpu.vector_load %arg11[%parallel_loop3A_406, %parallel_loop3A_407] {strides = array<i32>} : memref<128x64xf32, #tpu.memory_space<vmem>>, vector<1x16xf32>,
        %parallel_loop3A_409 = vector.shape_cast %parallel_loop3A_408 : vector<1x16xf32> to vector<16xf32>
        %parallel_loop3A_410 = arith.mulf %parallel_loop3A_409, %parallel_loop3A_395 : vector<16xf32>
        %parallel_loop3A_411 = arith.index_cast %parallel_loop3A_389 : i32 to index
        %parallel_loop3A_412 = arith.constant 16 : index
        %parallel_loop3A_413 = tpu.vector_load %arg11[%parallel_loop3A_411, %parallel_loop3A_412] {strides = array<i32>} : memref<128x64xf32, #tpu.memory_space<vmem>>, vector<1x16xf32>,
        %parallel_loop3A_414 = vector.shape_cast %parallel_loop3A_413 : vector<1x16xf32> to vector<16xf32>
        %parallel_loop3A_415 = vector.shape_cast %parallel_loop3A_410 : vector<16xf32> to vector<1x16xf32>
        tpu.vector_store %arg11[%parallel_loop3A_411, %parallel_loop3A_412], %parallel_loop3A_415 {strides = array<i32>} : memref<128x64xf32, #tpu.memory_space<vmem>>, vector<1x16xf32>,
        %parallel_loop3A_416 = arith.index_cast %parallel_loop3A_389 : i32 to index
        %parallel_loop3A_417 = arith.constant 32 : index
        %parallel_loop3A_418 = tpu.vector_load %arg11[%parallel_loop3A_416, %parallel_loop3A_417] {strides = array<i32>} : memref<128x64xf32, #tpu.memory_space<vmem>>, vector<1x16xf32>,
        %parallel_loop3A_419 = vector.shape_cast %parallel_loop3A_418 : vector<1x16xf32> to vector<16xf32>
        %parallel_loop3A_420 = arith.mulf %parallel_loop3A_419, %parallel_loop3A_395 : vector<16xf32>
        %parallel_loop3A_421 = arith.index_cast %parallel_loop3A_389 : i32 to index
        %parallel_loop3A_422 = arith.constant 32 : index
        %parallel_loop3A_423 = tpu.vector_load %arg11[%parallel_loop3A_421, %parallel_loop3A_422] {strides = array<i32>} : memref<128x64xf32, #tpu.memory_space<vmem>>, vector<1x16xf32>,
        %parallel_loop3A_424 = vector.shape_cast %parallel_loop3A_423 : vector<1x16xf32> to vector<16xf32>
        %parallel_loop3A_425 = vector.shape_cast %parallel_loop3A_420 : vector<16xf32> to vector<1x16xf32>
        tpu.vector_store %arg11[%parallel_loop3A_421, %parallel_loop3A_422], %parallel_loop3A_425 {strides = array<i32>} : memref<128x64xf32, #tpu.memory_space<vmem>>, vector<1x16xf32>,
        %parallel_loop3A_426 = arith.index_cast %parallel_loop3A_389 : i32 to index
        %parallel_loop3A_427 = arith.constant 48 : index
        %parallel_loop3A_428 = tpu.vector_load %arg11[%parallel_loop3A_426, %parallel_loop3A_427] {strides = array<i32>} : memref<128x64xf32, #tpu.memory_space<vmem>>, vector<1x16xf32>,
        %parallel_loop3A_429 = vector.shape_cast %parallel_loop3A_428 : vector<1x16xf32> to vector<16xf32>
        %parallel_loop3A_430 = arith.mulf %parallel_loop3A_429, %parallel_loop3A_395 : vector<16xf32>
        %parallel_loop3A_431 = arith.index_cast %parallel_loop3A_389 : i32 to index
        %parallel_loop3A_432 = arith.constant 48 : index
        %parallel_loop3A_433 = tpu.vector_load %arg11[%parallel_loop3A_431, %parallel_loop3A_432] {strides = array<i32>} : memref<128x64xf32, #tpu.memory_space<vmem>>, vector<1x16xf32>,
        %parallel_loop3A_434 = vector.shape_cast %parallel_loop3A_433 : vector<1x16xf32> to vector<16xf32>
        %parallel_loop3A_435 = vector.shape_cast %parallel_loop3A_430 : vector<16xf32> to vector<1x16xf32>
        tpu.vector_store %arg11[%parallel_loop3A_431, %parallel_loop3A_432], %parallel_loop3A_435 {strides = array<i32>} : memref<128x64xf32, #tpu.memory_space<vmem>>, vector<1x16xf32>,
        scf.yield %parallel_loop3A_390 : i32
      } {sc.loop_unroll_factor = 8 : i64, sc.parallel_access}
      "tpu.region"() ({
        %run_scoped3A = tpu.sem_alloc : memref<!tpu.dma_semaphore, #tpu.memory_space<semaphore_mem>>
        %dma_start3A_389 = arith.constant 0 : i32
        %dma_start3A_390 = tpu.memref_slice %arg9[%add3A_331, %dma_start3A_389] : memref<158x128xi32, #tpu.memory_space<vmem>> -> memref<1x128xi32, #tpu.memory_space<vmem>>
        %dma_start3A_391 = tpu.memref_squeeze %dma_start3A_390 : memref<1x128xi32, #tpu.memory_space<vmem>> -> memref<128xi32, #tpu.memory_space<vmem>>
        %dma_start3A_392 = arith.constant 0 : i32
        %dma_start3A_393 = arith.constant 0 : i32
        %dma_start3A_394 = tpu.memref_slice %arg15[%dma_start3A_392, %dma_start3A_393] : memref<10240x64xf32, #tpu.memory_space<vmem_shared>> -> memref<10240x64xf32, #tpu.memory_space<vmem_shared>>
        tpu.enqueue_indirect_dma source(%arg11 : memref<128x64xf32, #tpu.memory_space<vmem>>) target(%dma_start3A_394 : memref<10240x64xf32, #tpu.memory_space<vmem_shared>>) offsets(%dma_start3A_391 : memref<128xi32, #tpu.memory_space<vmem>>) semaphore(%run_scoped3A : memref<!tpu.dma_semaphore, #tpu.memory_space<semaphore_mem>>) {add = true}
        %dma_wait3A_395 = arith.constant 0 : i32
        %dma_wait3A_396 = tpu.memref_slice %arg9[%add3A_331, %dma_wait3A_395] : memref<158x128xi32, #tpu.memory_space<vmem>> -> memref<1x128xi32, #tpu.memory_space<vmem>>
        %dma_wait3A_397 = tpu.memref_squeeze %dma_wait3A_396 : memref<1x128xi32, #tpu.memory_space<vmem>> -> memref<128xi32, #tpu.memory_space<vmem>>
        %dma_wait3A_398 = arith.constant 0 : i32
        %dma_wait3A_399 = arith.constant 0 : i32
        %dma_wait3A_400 = tpu.memref_slice %arg15[%dma_wait3A_398, %dma_wait3A_399] : memref<10240x64xf32, #tpu.memory_space<vmem_shared>> -> memref<10240x64xf32, #tpu.memory_space<vmem_shared>>
        tpu.wait_indirect_dma semaphore(%run_scoped3A : memref<!tpu.dma_semaphore, #tpu.memory_space<semaphore_mem>>) src(%arg11 : memref<128x64xf32, #tpu.memory_space<vmem>>) dst(%dma_wait3A_400 : memref<10240x64xf32, #tpu.memory_space<vmem_shared>>)
        tpu.yield
      }) : () -> ()
      %add3A_361 = arith.constant 2 : i32
      %add3A_362 = arith.addi %add3A_331, %add3A_361 : i32
      %min3A_363 = arith.constant 157 : i32
      %min3A_364 = arith.minsi %add3A_362, %min3A_363 : i32
      %dma_start3A_365 = arith.constant 0 : i32
      %dma_start3A_366 = tpu.memref_slice %arg8[%min3A_364, %dma_start3A_365] : memref<158x128xi32, #tpu.memory_space<vmem>> -> memref<1x128xi32, #tpu.memory_space<vmem>>
      %dma_start3A_367 = tpu.memref_squeeze %dma_start3A_366 : memref<1x128xi32, #tpu.memory_space<vmem>> -> memref<128xi32, #tpu.memory_space<vmem>>
      %dma_start3A_368 = arith.constant 0 : i32
      %dma_start3A_369 = arith.constant 0 : i32
      %dma_start3A_370 = tpu.memref_slice %arg2[%arg0, %dma_start3A_368, %dma_start3A_369] : memref<2x10000x64xf32, #tpu.memory_space<hbm>> -> memref<1x10000x64xf32, #tpu.memory_space<hbm>>
      %dma_start3A_371 = tpu.memref_squeeze %dma_start3A_370 : memref<1x10000x64xf32, #tpu.memory_space<hbm>> -> memref<10000x64xf32, #tpu.memory_space<hbm>>
      %dma_start3A_372 = arith.constant 0 : i32
      %dma_start3A_373 = arith.constant 0 : i32
      %dma_start3A_374 = tpu.memref_slice %dma_start3A_371[%dma_start3A_372, %dma_start3A_373] : memref<10000x64xf32, #tpu.memory_space<hbm>> -> memref<10000x64xf32, #tpu.memory_space<hbm>>
      tpu.enqueue_indirect_dma source(%dma_start3A_374 : memref<10000x64xf32, #tpu.memory_space<hbm>>) target(%arg11 : memref<128x64xf32, #tpu.memory_space<vmem>>) offsets(%dma_start3A_367 : memref<128xi32, #tpu.memory_space<vmem>>) semaphore(%arg17 : memref<!tpu.dma_semaphore, #tpu.memory_space<semaphore_mem>>)
      %dma_start3A_375 = arith.constant 0 : i32
      %dma_start3A_376 = arith.constant 0 : i32
      %dma_start3A_377 = tpu.memref_slice %arg5[%arg1, %dma_start3A_375, %dma_start3A_376] : memref<16x158x2048xf32, #tpu.memory_space<hbm>> -> memref<1x158x2048xf32, #tpu.memory_space<hbm>>
      %dma_start3A_378 = tpu.memref_squeeze %dma_start3A_377 : memref<1x158x2048xf32, #tpu.memory_space<hbm>> -> memref<158x2048xf32, #tpu.memory_space<hbm>>
      %dma_start3A_379 = arith.constant 0 : i32
      %dma_start3A_380 = tpu.memref_slice %dma_start3A_378[%min3A_364, %dma_start3A_379] : memref<158x2048xf32, #tpu.memory_space<hbm>> -> memref<1x2048xf32, #tpu.memory_space<hbm>>
      %dma_start3A_381 = tpu.memref_squeeze %dma_start3A_380 : memref<1x2048xf32, #tpu.memory_space<hbm>> -> memref<2048xf32, #tpu.memory_space<hbm>>
      %dma_start3A_382 = arith.constant 0 : i32
      %dma_start3A_383 = arith.constant 0 : i32
      %dma_start3A_384 = tpu.memref_slice %arg5[%arg1, %dma_start3A_382, %dma_start3A_383] : memref<16x158x2048xf32, #tpu.memory_space<hbm>> -> memref<1x158x2048xf32, #tpu.memory_space<hbm>>
      %dma_start3A_385 = tpu.memref_squeeze %dma_start3A_384 : memref<1x158x2048xf32, #tpu.memory_space<hbm>> -> memref<158x2048xf32, #tpu.memory_space<hbm>>
      %dma_start3A_386 = arith.constant 0 : i32
      %dma_start3A_387 = tpu.memref_slice %dma_start3A_385[%min3A_364, %dma_start3A_386] : memref<158x2048xf32, #tpu.memory_space<hbm>> -> memref<1x2048xf32, #tpu.memory_space<hbm>>
      %dma_start3A_388 = tpu.memref_squeeze %dma_start3A_387 : memref<1x2048xf32, #tpu.memory_space<hbm>> -> memref<2048xf32, #tpu.memory_space<hbm>>
      tpu.enqueue_dma source(%dma_start3A_388 : memref<2048xf32, #tpu.memory_space<hbm>>) target(%arg13 : memref<2048xf32, #tpu.memory_space<vmem>>) target_semaphore(%arg17 : memref<!tpu.dma_semaphore, #tpu.memory_space<semaphore_mem>>)
    }
    %scan3A_79 = arith.constant 79 : i32
    %dma_wait3A = arith.constant 156 : i32
    %dma_wait3A_80 = arith.constant 0 : i32
    %dma_wait3A_81 = tpu.memref_slice %arg8[%dma_wait3A, %dma_wait3A_80] : memref<158x128xi32, #tpu.memory_space<vmem>> -> memref<1x128xi32, #tpu.memory_space<vmem>>
    %dma_wait3A_82 = tpu.memref_squeeze %dma_wait3A_81 : memref<1x128xi32, #tpu.memory_space<vmem>> -> memref<128xi32, #tpu.memory_space<vmem>>
    %dma_wait3A_83 = arith.constant 0 : i32
    %dma_wait3A_84 = arith.constant 0 : i32
    %dma_wait3A_85 = tpu.memref_slice %arg2[%arg0, %dma_wait3A_83, %dma_wait3A_84] : memref<2x10000x64xf32, #tpu.memory_space<hbm>> -> memref<1x10000x64xf32, #tpu.memory_space<hbm>>
    %dma_wait3A_86 = tpu.memref_squeeze %dma_wait3A_85 : memref<1x10000x64xf32, #tpu.memory_space<hbm>> -> memref<10000x64xf32, #tpu.memory_space<hbm>>
    %dma_wait3A_87 = arith.constant 0 : i32
    %dma_wait3A_88 = arith.constant 0 : i32
    %dma_wait3A_89 = tpu.memref_slice %dma_wait3A_86[%dma_wait3A_87, %dma_wait3A_88] : memref<10000x64xf32, #tpu.memory_space<hbm>> -> memref<10000x64xf32, #tpu.memory_space<hbm>>
    tpu.wait_indirect_dma semaphore(%arg16 : memref<!tpu.dma_semaphore, #tpu.memory_space<semaphore_mem>>) src(%dma_wait3A_89 : memref<10000x64xf32, #tpu.memory_space<hbm>>) dst(%arg10 : memref<128x64xf32, #tpu.memory_space<vmem>>)
    %dma_wait3A_90 = arith.constant 156 : i32
    %dma_wait3A_91 = arith.constant 0 : i32
    %dma_wait3A_92 = arith.constant 0 : i32
    %dma_wait3A_93 = tpu.memref_slice %arg5[%arg1, %dma_wait3A_91, %dma_wait3A_92] : memref<16x158x2048xf32, #tpu.memory_space<hbm>> -> memref<1x158x2048xf32, #tpu.memory_space<hbm>>
    %dma_wait3A_94 = tpu.memref_squeeze %dma_wait3A_93 : memref<1x158x2048xf32, #tpu.memory_space<hbm>> -> memref<158x2048xf32, #tpu.memory_space<hbm>>
    %dma_wait3A_95 = arith.constant 0 : i32
    %dma_wait3A_96 = tpu.memref_slice %dma_wait3A_94[%dma_wait3A_90, %dma_wait3A_95] : memref<158x2048xf32, #tpu.memory_space<hbm>> -> memref<1x2048xf32, #tpu.memory_space<hbm>>
    %dma_wait3A_97 = tpu.memref_squeeze %dma_wait3A_96 : memref<1x2048xf32, #tpu.memory_space<hbm>> -> memref<2048xf32, #tpu.memory_space<hbm>>
    %dma_wait3A_98 = arith.constant 0 : i32
    %dma_wait3A_99 = arith.constant 0 : i32
    %dma_wait3A_100 = tpu.memref_slice %arg5[%arg1, %dma_wait3A_98, %dma_wait3A_99] : memref<16x158x2048xf32, #tpu.memory_space<hbm>> -> memref<1x158x2048xf32, #tpu.memory_space<hbm>>
    %dma_wait3A_101 = tpu.memref_squeeze %dma_wait3A_100 : memref<1x158x2048xf32, #tpu.memory_space<hbm>> -> memref<158x2048xf32, #tpu.memory_space<hbm>>
    %dma_wait3A_102 = arith.constant 0 : i32
    %dma_wait3A_103 = tpu.memref_slice %dma_wait3A_101[%dma_wait3A_90, %dma_wait3A_102] : memref<158x2048xf32, #tpu.memory_space<hbm>> -> memref<1x2048xf32, #tpu.memory_space<hbm>>
    %dma_wait3A_104 = tpu.memref_squeeze %dma_wait3A_103 : memref<1x2048xf32, #tpu.memory_space<hbm>> -> memref<2048xf32, #tpu.memory_space<hbm>>
    tpu.wait_dma2 semaphore(%arg16 : memref<!tpu.dma_semaphore, #tpu.memory_space<semaphore_mem>>) src(%dma_wait3A_104 : memref<2048xf32, #tpu.memory_space<hbm>>) dst(%arg12 : memref<2048xf32, #tpu.memory_space<vmem>>)
    %dma_wait3A_105 = arith.constant 157 : i32
    %dma_wait3A_106 = arith.constant 0 : i32
    %dma_wait3A_107 = tpu.memref_slice %arg8[%dma_wait3A_105, %dma_wait3A_106] : memref<158x128xi32, #tpu.memory_space<vmem>> -> memref<1x128xi32, #tpu.memory_space<vmem>>
    %dma_wait3A_108 = tpu.memref_squeeze %dma_wait3A_107 : memref<1x128xi32, #tpu.memory_space<vmem>> -> memref<128xi32, #tpu.memory_space<vmem>>
    %dma_wait3A_109 = arith.constant 0 : i32
    %dma_wait3A_110 = arith.constant 0 : i32
    %dma_wait3A_111 = tpu.memref_slice %arg2[%arg0, %dma_wait3A_109, %dma_wait3A_110] : memref<2x10000x64xf32, #tpu.memory_space<hbm>> -> memref<1x10000x64xf32, #tpu.memory_space<hbm>>
    %dma_wait3A_112 = tpu.memref_squeeze %dma_wait3A_111 : memref<1x10000x64xf32, #tpu.memory_space<hbm>> -> memref<10000x64xf32, #tpu.memory_space<hbm>>
    %dma_wait3A_113 = arith.constant 0 : i32
    %dma_wait3A_114 = arith.constant 0 : i32
    %dma_wait3A_115 = tpu.memref_slice %dma_wait3A_112[%dma_wait3A_113, %dma_wait3A_114] : memref<10000x64xf32, #tpu.memory_space<hbm>> -> memref<10000x64xf32, #tpu.memory_space<hbm>>
    tpu.wait_indirect_dma semaphore(%arg17 : memref<!tpu.dma_semaphore, #tpu.memory_space<semaphore_mem>>) src(%dma_wait3A_115 : memref<10000x64xf32, #tpu.memory_space<hbm>>) dst(%arg11 : memref<128x64xf32, #tpu.memory_space<vmem>>)
    %dma_wait3A_116 = arith.constant 157 : i32
    %dma_wait3A_117 = arith.constant 0 : i32
    %dma_wait3A_118 = arith.constant 0 : i32
    %dma_wait3A_119 = tpu.memref_slice %arg5[%arg1, %dma_wait3A_117, %dma_wait3A_118] : memref<16x158x2048xf32, #tpu.memory_space<hbm>> -> memref<1x158x2048xf32, #tpu.memory_space<hbm>>
    %dma_wait3A_120 = tpu.memref_squeeze %dma_wait3A_119 : memref<1x158x2048xf32, #tpu.memory_space<hbm>> -> memref<158x2048xf32, #tpu.memory_space<hbm>>
    %dma_wait3A_121 = arith.constant 0 : i32
    %dma_wait3A_122 = tpu.memref_slice %dma_wait3A_120[%dma_wait3A_116, %dma_wait3A_121] : memref<158x2048xf32, #tpu.memory_space<hbm>> -> memref<1x2048xf32, #tpu.memory_space<hbm>>
    %dma_wait3A_123 = tpu.memref_squeeze %dma_wait3A_122 : memref<1x2048xf32, #tpu.memory_space<hbm>> -> memref<2048xf32, #tpu.memory_space<hbm>>
    %dma_wait3A_124 = arith.constant 0 : i32
    %dma_wait3A_125 = arith.constant 0 : i32
    %dma_wait3A_126 = tpu.memref_slice %arg5[%arg1, %dma_wait3A_124, %dma_wait3A_125] : memref<16x158x2048xf32, #tpu.memory_space<hbm>> -> memref<1x158x2048xf32, #tpu.memory_space<hbm>>
    %dma_wait3A_127 = tpu.memref_squeeze %dma_wait3A_126 : memref<1x158x2048xf32, #tpu.memory_space<hbm>> -> memref<158x2048xf32, #tpu.memory_space<hbm>>
    %dma_wait3A_128 = arith.constant 0 : i32
    %dma_wait3A_129 = tpu.memref_slice %dma_wait3A_127[%dma_wait3A_116, %dma_wait3A_128] : memref<158x2048xf32, #tpu.memory_space<hbm>> -> memref<1x2048xf32, #tpu.memory_space<hbm>>
    %dma_wait3A_130 = tpu.memref_squeeze %dma_wait3A_129 : memref<1x2048xf32, #tpu.memory_space<hbm>> -> memref<2048xf32, #tpu.memory_space<hbm>>
    tpu.wait_dma2 semaphore(%arg17 : memref<!tpu.dma_semaphore, #tpu.memory_space<semaphore_mem>>) src(%dma_wait3A_130 : memref<2048xf32, #tpu.memory_space<hbm>>) dst(%arg13 : memref<2048xf32, #tpu.memory_space<vmem>>)
    %barrier3A_131 = arith.constant 0 : index
    tpu.barrier barrier_id(%barrier3A_131)
    %mul3A_132 = arith.constant 640 : i32
    %mul3A_133 = arith.muli %arg1, %mul3A_132 : i32
    %mul3A_134 = arith.constant 640 : i32
    %mul3A_135 = arith.muli %arg1, %mul3A_134 : i32
    "tpu.region"() ({
      %run_scoped3A = tpu.sem_alloc : memref<!tpu.dma_semaphore, #tpu.memory_space<semaphore_mem>>
      %dma_start3A_272 = arith.constant 0 : i32
      %dma_start3A_273 = arith.constant 0 : i32
      %dma_start3A_274 = tpu.memref_slice %arg6[%arg0, %dma_start3A_272, %dma_start3A_273] : memref<2x10240x64xf32, #tpu.memory_space<hbm>> -> memref<1x10240x64xf32, #tpu.memory_space<hbm>>
      %dma_start3A_275 = tpu.memref_squeeze %dma_start3A_274 : memref<1x10240x64xf32, #tpu.memory_space<hbm>> -> memref<10240x64xf32, #tpu.memory_space<hbm>>
      %dma_start3A_276 = arith.constant 0 : i32
      %dma_start3A_277 = tpu.memref_slice %dma_start3A_275[%mul3A_135, %dma_start3A_276] : memref<10240x64xf32, #tpu.memory_space<hbm>> -> memref<640x64xf32, #tpu.memory_space<hbm>>
      %dma_start3A_278 = arith.constant 0 : i32
      %dma_start3A_279 = tpu.memref_slice %arg15[%mul3A_133, %dma_start3A_278] : memref<10240x64xf32, #tpu.memory_space<vmem_shared>> -> memref<640x64xf32, #tpu.memory_space<vmem_shared>>
      tpu.enqueue_dma source(%dma_start3A_279 : memref<640x64xf32, #tpu.memory_space<vmem_shared>>) target(%dma_start3A_277 : memref<640x64xf32, #tpu.memory_space<hbm>>) target_semaphore(%run_scoped3A : memref<!tpu.dma_semaphore, #tpu.memory_space<semaphore_mem>>)
      %dma_wait3A_280 = arith.constant 0 : i32
      %dma_wait3A_281 = arith.constant 0 : i32
      %dma_wait3A_282 = tpu.memref_slice %arg6[%arg0, %dma_wait3A_280, %dma_wait3A_281] : memref<2x10240x64xf32, #tpu.memory_space<hbm>> -> memref<1x10240x64xf32, #tpu.memory_space<hbm>>
      %dma_wait3A_283 = tpu.memref_squeeze %dma_wait3A_282 : memref<1x10240x64xf32, #tpu.memory_space<hbm>> -> memref<10240x64xf32, #tpu.memory_space<hbm>>
      %dma_wait3A_284 = arith.constant 0 : i32
      %dma_wait3A_285 = tpu.memref_slice %dma_wait3A_283[%mul3A_135, %dma_wait3A_284] : memref<10240x64xf32, #tpu.memory_space<hbm>> -> memref<640x64xf32, #tpu.memory_space<hbm>>
      %dma_wait3A_286 = arith.constant 0 : i32
      %dma_wait3A_287 = tpu.memref_slice %arg15[%mul3A_133, %dma_wait3A_286] : memref<10240x64xf32, #tpu.memory_space<vmem_shared>> -> memref<640x64xf32, #tpu.memory_space<vmem_shared>>
      tpu.wait_dma2 semaphore(%run_scoped3A : memref<!tpu.dma_semaphore, #tpu.memory_space<semaphore_mem>>) src(%dma_wait3A_287 : memref<640x64xf32, #tpu.memory_space<vmem_shared>>) dst(%dma_wait3A_285 : memref<640x64xf32, #tpu.memory_space<hbm>>)
      tpu.yield
    }) : () -> ()
    %mul3A_136 = arith.constant 640 : i32
    %mul3A_137 = arith.muli %arg1, %mul3A_136 : i32
    %add3A_138 = arith.constant 0 : i32
    %add3A_139 = arith.addi %mul3A_137, %add3A_138 : i32
    "tpu.region"() ({
      %run_scoped3A = tpu.sem_alloc : memref<!tpu.dma_semaphore, #tpu.memory_space<semaphore_mem>>
      %dma_start3A_272 = arith.constant 0 : i32
      %dma_start3A_273 = tpu.memref_slice %arg15[%add3A_139, %dma_start3A_272] : memref<10240x64xf32, #tpu.memory_space<vmem_shared>> -> memref<128x64xf32, #tpu.memory_space<vmem_shared>>
      %dma_start3A_274 = arith.constant 0 : i32
      %dma_start3A_275 = tpu.memref_slice %arg15[%add3A_139, %dma_start3A_274] : memref<10240x64xf32, #tpu.memory_space<vmem_shared>> -> memref<128x64xf32, #tpu.memory_space<vmem_shared>>
      tpu.enqueue_dma source(%arg14 : memref<128x64xf32, #tpu.memory_space<vmem>>) target(%dma_start3A_275 : memref<128x64xf32, #tpu.memory_space<vmem_shared>>) target_semaphore(%run_scoped3A : memref<!tpu.dma_semaphore, #tpu.memory_space<semaphore_mem>>)
      %dma_wait3A_276 = arith.constant 0 : i32
      %dma_wait3A_277 = tpu.memref_slice %arg15[%add3A_139, %dma_wait3A_276] : memref<10240x64xf32, #tpu.memory_space<vmem_shared>> -> memref<128x64xf32, #tpu.memory_space<vmem_shared>>
      %dma_wait3A_278 = arith.constant 0 : i32
      %dma_wait3A_279 = tpu.memref_slice %arg15[%add3A_139, %dma_wait3A_278] : memref<10240x64xf32, #tpu.memory_space<vmem_shared>> -> memref<128x64xf32, #tpu.memory_space<vmem_shared>>
      tpu.wait_dma2 semaphore(%run_scoped3A : memref<!tpu.dma_semaphore, #tpu.memory_space<semaphore_mem>>) src(%arg14 : memref<128x64xf32, #tpu.memory_space<vmem>>) dst(%dma_wait3A_279 : memref<128x64xf32, #tpu.memory_space<vmem_shared>>)
      tpu.yield
    }) : () -> ()
    %mul3A_140 = arith.constant 640 : i32
    %mul3A_141 = arith.muli %arg1, %mul3A_140 : i32
    %add3A_142 = arith.constant 128 : i32
    %add3A_143 = arith.addi %mul3A_141, %add3A_142 : i32
    "tpu.region"() ({
      %run_scoped3A = tpu.sem_alloc : memref<!tpu.dma_semaphore, #tpu.memory_space<semaphore_mem>>
      %dma_start3A_272 = arith.constant 0 : i32
      %dma_start3A_273 = tpu.memref_slice %arg15[%add3A_143, %dma_start3A_272] : memref<10240x64xf32, #tpu.memory_space<vmem_shared>> -> memref<128x64xf32, #tpu.memory_space<vmem_shared>>
      %dma_start3A_274 = arith.constant 0 : i32
      %dma_start3A_275 = tpu.memref_slice %arg15[%add3A_143, %dma_start3A_274] : memref<10240x64xf32, #tpu.memory_space<vmem_shared>> -> memref<128x64xf32, #tpu.memory_space<vmem_shared>>
      tpu.enqueue_dma source(%arg14 : memref<128x64xf32, #tpu.memory_space<vmem>>) target(%dma_start3A_275 : memref<128x64xf32, #tpu.memory_space<vmem_shared>>) target_semaphore(%run_scoped3A : memref<!tpu.dma_semaphore, #tpu.memory_space<semaphore_mem>>)
      %dma_wait3A_276 = arith.constant 0 : i32
      %dma_wait3A_277 = tpu.memref_slice %arg15[%add3A_143, %dma_wait3A_276] : memref<10240x64xf32, #tpu.memory_space<vmem_shared>> -> memref<128x64xf32, #tpu.memory_space<vmem_shared>>
      %dma_wait3A_278 = arith.constant 0 : i32
      %dma_wait3A_279 = tpu.memref_slice %arg15[%add3A_143, %dma_wait3A_278] : memref<10240x64xf32, #tpu.memory_space<vmem_shared>> -> memref<128x64xf32, #tpu.memory_space<vmem_shared>>
      tpu.wait_dma2 semaphore(%run_scoped3A : memref<!tpu.dma_semaphore, #tpu.memory_space<semaphore_mem>>) src(%arg14 : memref<128x64xf32, #tpu.memory_space<vmem>>) dst(%dma_wait3A_279 : memref<128x64xf32, #tpu.memory_space<vmem_shared>>)
      tpu.yield
    }) : () -> ()
    %mul3A_144 = arith.constant 640 : i32
    %mul3A_145 = arith.muli %arg1, %mul3A_144 : i32
    %add3A_146 = arith.constant 256 : i32
    %add3A_147 = arith.addi %mul3A_145, %add3A_146 : i32
    "tpu.region"() ({
      %run_scoped3A = tpu.sem_alloc : memref<!tpu.dma_semaphore, #tpu.memory_space<semaphore_mem>>
      %dma_start3A_272 = arith.constant 0 : i32
      %dma_start3A_273 = tpu.memref_slice %arg15[%add3A_147, %dma_start3A_272] : memref<10240x64xf32, #tpu.memory_space<vmem_shared>> -> memref<128x64xf32, #tpu.memory_space<vmem_shared>>
      %dma_start3A_274 = arith.constant 0 : i32
      %dma_start3A_275 = tpu.memref_slice %arg15[%add3A_147, %dma_start3A_274] : memref<10240x64xf32, #tpu.memory_space<vmem_shared>> -> memref<128x64xf32, #tpu.memory_space<vmem_shared>>
      tpu.enqueue_dma source(%arg14 : memref<128x64xf32, #tpu.memory_space<vmem>>) target(%dma_start3A_275 : memref<128x64xf32, #tpu.memory_space<vmem_shared>>) target_semaphore(%run_scoped3A : memref<!tpu.dma_semaphore, #tpu.memory_space<semaphore_mem>>)
      %dma_wait3A_276 = arith.constant 0 : i32
      %dma_wait3A_277 = tpu.memref_slice %arg15[%add3A_147, %dma_wait3A_276] : memref<10240x64xf32, #tpu.memory_space<vmem_shared>> -> memref<128x64xf32, #tpu.memory_space<vmem_shared>>
      %dma_wait3A_278 = arith.constant 0 : i32
      %dma_wait3A_279 = tpu.memref_slice %arg15[%add3A_147, %dma_wait3A_278] : memref<10240x64xf32, #tpu.memory_space<vmem_shared>> -> memref<128x64xf32, #tpu.memory_space<vmem_shared>>
      tpu.wait_dma2 semaphore(%run_scoped3A : memref<!tpu.dma_semaphore, #tpu.memory_space<semaphore_mem>>) src(%arg14 : memref<128x64xf32, #tpu.memory_space<vmem>>) dst(%dma_wait3A_279 : memref<128x64xf32, #tpu.memory_space<vmem_shared>>)
      tpu.yield
    }) : () -> ()
    %mul3A_148 = arith.constant 640 : i32
    %mul3A_149 = arith.muli %arg1, %mul3A_148 : i32
    %add3A_150 = arith.constant 384 : i32
    %add3A_151 = arith.addi %mul3A_149, %add3A_150 : i32
    "tpu.region"() ({
      %run_scoped3A = tpu.sem_alloc : memref<!tpu.dma_semaphore, #tpu.memory_space<semaphore_mem>>
      %dma_start3A_272 = arith.constant 0 : i32
      %dma_start3A_273 = tpu.memref_slice %arg15[%add3A_151, %dma_start3A_272] : memref<10240x64xf32, #tpu.memory_space<vmem_shared>> -> memref<128x64xf32, #tpu.memory_space<vmem_shared>>
      %dma_start3A_274 = arith.constant 0 : i32
      %dma_start3A_275 = tpu.memref_slice %arg15[%add3A_151, %dma_start3A_274] : memref<10240x64xf32, #tpu.memory_space<vmem_shared>> -> memref<128x64xf32, #tpu.memory_space<vmem_shared>>
      tpu.enqueue_dma source(%arg14 : memref<128x64xf32, #tpu.memory_space<vmem>>) target(%dma_start3A_275 : memref<128x64xf32, #tpu.memory_space<vmem_shared>>) target_semaphore(%run_scoped3A : memref<!tpu.dma_semaphore, #tpu.memory_space<semaphore_mem>>)
      %dma_wait3A_276 = arith.constant 0 : i32
      %dma_wait3A_277 = tpu.memref_slice %arg15[%add3A_151, %dma_wait3A_276] : memref<10240x64xf32, #tpu.memory_space<vmem_shared>> -> memref<128x64xf32, #tpu.memory_space<vmem_shared>>
      %dma_wait3A_278 = arith.constant 0 : i32
      %dma_wait3A_279 = tpu.memref_slice %arg15[%add3A_151, %dma_wait3A_278] : memref<10240x64xf32, #tpu.memory_space<vmem_shared>> -> memref<128x64xf32, #tpu.memory_space<vmem_shared>>
      tpu.wait_dma2 semaphore(%run_scoped3A : memref<!tpu.dma_semaphore, #tpu.memory_space<semaphore_mem>>) src(%arg14 : memref<128x64xf32, #tpu.memory_space<vmem>>) dst(%dma_wait3A_279 : memref<128x64xf32, #tpu.memory_space<vmem_shared>>)
      tpu.yield
    }) : () -> ()
    %mul3A_152 = arith.constant 640 : i32
    %mul3A_153 = arith.muli %arg1, %mul3A_152 : i32
    %add3A_154 = arith.constant 512 : i32
    %add3A_155 = arith.addi %mul3A_153, %add3A_154 : i32
    "tpu.region"() ({
      %run_scoped3A = tpu.sem_alloc : memref<!tpu.dma_semaphore, #tpu.memory_space<semaphore_mem>>
      %dma_start3A_272 = arith.constant 0 : i32
      %dma_start3A_273 = tpu.memref_slice %arg15[%add3A_155, %dma_start3A_272] : memref<10240x64xf32, #tpu.memory_space<vmem_shared>> -> memref<128x64xf32, #tpu.memory_space<vmem_shared>>
      %dma_start3A_274 = arith.constant 0 : i32
      %dma_start3A_275 = tpu.memref_slice %arg15[%add3A_155, %dma_start3A_274] : memref<10240x64xf32, #tpu.memory_space<vmem_shared>> -> memref<128x64xf32, #tpu.memory_space<vmem_shared>>
      tpu.enqueue_dma source(%arg14 : memref<128x64xf32, #tpu.memory_space<vmem>>) target(%dma_start3A_275 : memref<128x64xf32, #tpu.memory_space<vmem_shared>>) target_semaphore(%run_scoped3A : memref<!tpu.dma_semaphore, #tpu.memory_space<semaphore_mem>>)
      %dma_wait3A_276 = arith.constant 0 : i32
      %dma_wait3A_277 = tpu.memref_slice %arg15[%add3A_155, %dma_wait3A_276] : memref<10240x64xf32, #tpu.memory_space<vmem_shared>> -> memref<128x64xf32, #tpu.memory_space<vmem_shared>>
      %dma_wait3A_278 = arith.constant 0 : i32
      %dma_wait3A_279 = tpu.memref_slice %arg15[%add3A_155, %dma_wait3A_278] : memref<10240x64xf32, #tpu.memory_space<vmem_shared>> -> memref<128x64xf32, #tpu.memory_space<vmem_shared>>
      tpu.wait_dma2 semaphore(%run_scoped3A : memref<!tpu.dma_semaphore, #tpu.memory_space<semaphore_mem>>) src(%arg14 : memref<128x64xf32, #tpu.memory_space<vmem>>) dst(%dma_wait3A_279 : memref<128x64xf32, #tpu.memory_space<vmem_shared>>)
      tpu.yield
    }) : () -> ()
    %barrier3A_156 = arith.constant 0 : index
    tpu.barrier barrier_id(%barrier3A_156)
    %dma_start3A_157 = arith.constant 0 : i32
    %dma_start3A_158 = arith.constant 0 : i32
    %dma_start3A_159 = tpu.memref_slice %arg8[%dma_start3A_157, %dma_start3A_158] : memref<158x128xi32, #tpu.memory_space<vmem>> -> memref<1x128xi32, #tpu.memory_space<vmem>>
    %dma_start3A_160 = tpu.memref_squeeze %dma_start3A_159 : memref<1x128xi32, #tpu.memory_space<vmem>> -> memref<128xi32, #tpu.memory_space<vmem>>
    %dma_start3A_161 = arith.constant 0 : i32
    %dma_start3A_162 = arith.constant 0 : i32
    %dma_start3A_163 = tpu.memref_slice %arg6[%arg0, %dma_start3A_161, %dma_start3A_162] : memref<2x10240x64xf32, #tpu.memory_space<hbm>> -> memref<1x10240x64xf32, #tpu.memory_space<hbm>>
    %dma_start3A_164 = tpu.memref_squeeze %dma_start3A_163 : memref<1x10240x64xf32, #tpu.memory_space<hbm>> -> memref<10240x64xf32, #tpu.memory_space<hbm>>
    %dma_start3A_165 = arith.constant 0 : i32
    %dma_start3A_166 = arith.constant 0 : i32
    %dma_start3A_167 = tpu.memref_slice %dma_start3A_164[%dma_start3A_165, %dma_start3A_166] : memref<10240x64xf32, #tpu.memory_space<hbm>> -> memref<10240x64xf32, #tpu.memory_space<hbm>>
    tpu.enqueue_indirect_dma source(%dma_start3A_167 : memref<10240x64xf32, #tpu.memory_space<hbm>>) target(%arg10 : memref<128x64xf32, #tpu.memory_space<vmem>>) offsets(%dma_start3A_160 : memref<128xi32, #tpu.memory_space<vmem>>) semaphore(%arg16 : memref<!tpu.dma_semaphore, #tpu.memory_space<semaphore_mem>>)
    %dma_start3A_168 = arith.constant 0 : i32
    %dma_start3A_169 = arith.constant 0 : i32
    %dma_start3A_170 = arith.constant 0 : i32
    %dma_start3A_171 = tpu.memref_slice %arg5[%arg1, %dma_start3A_169, %dma_start3A_170] : memref<16x158x2048xf32, #tpu.memory_space<hbm>> -> memref<1x158x2048xf32, #tpu.memory_space<hbm>>
    %dma_start3A_172 = tpu.memref_squeeze %dma_start3A_171 : memref<1x158x2048xf32, #tpu.memory_space<hbm>> -> memref<158x2048xf32, #tpu.memory_space<hbm>>
    %dma_start3A_173 = arith.constant 0 : i32
    %dma_start3A_174 = tpu.memref_slice %dma_start3A_172[%dma_start3A_168, %dma_start3A_173] : memref<158x2048xf32, #tpu.memory_space<hbm>> -> memref<1x2048xf32, #tpu.memory_space<hbm>>
    %dma_start3A_175 = tpu.memref_squeeze %dma_start3A_174 : memref<1x2048xf32, #tpu.memory_space<hbm>> -> memref<2048xf32, #tpu.memory_space<hbm>>
    %dma_start3A_176 = arith.constant 0 : i32
    %dma_start3A_177 = arith.constant 0 : i32
    %dma_start3A_178 = tpu.memref_slice %arg5[%arg1, %dma_start3A_176, %dma_start3A_177] : memref<16x158x2048xf32, #tpu.memory_space<hbm>> -> memref<1x158x2048xf32, #tpu.memory_space<hbm>>
    %dma_start3A_179 = tpu.memref_squeeze %dma_start3A_178 : memref<1x158x2048xf32, #tpu.memory_space<hbm>> -> memref<158x2048xf32, #tpu.memory_space<hbm>>
    %dma_start3A_180 = arith.constant 0 : i32
    %dma_start3A_181 = tpu.memref_slice %dma_start3A_179[%dma_start3A_168, %dma_start3A_180] : memref<158x2048xf32, #tpu.memory_space<hbm>> -> memref<1x2048xf32, #tpu.memory_space<hbm>>
    %dma_start3A_182 = tpu.memref_squeeze %dma_start3A_181 : memref<1x2048xf32, #tpu.memory_space<hbm>> -> memref<2048xf32, #tpu.memory_space<hbm>>
    tpu.enqueue_dma source(%dma_start3A_182 : memref<2048xf32, #tpu.memory_space<hbm>>) target(%arg12 : memref<2048xf32, #tpu.memory_space<vmem>>) target_semaphore(%arg16 : memref<!tpu.dma_semaphore, #tpu.memory_space<semaphore_mem>>)
    %dma_start3A_183 = arith.constant 1 : i32
    %dma_start3A_184 = arith.constant 0 : i32
    %dma_start3A_185 = tpu.memref_slice %arg8[%dma_start3A_183, %dma_start3A_184] : memref<158x128xi32, #tpu.memory_space<vmem>> -> memref<1x128xi32, #tpu.memory_space<vmem>>
    %dma_start3A_186 = tpu.memref_squeeze %dma_start3A_185 : memref<1x128xi32, #tpu.memory_space<vmem>> -> memref<128xi32, #tpu.memory_space<vmem>>
    %dma_start3A_187 = arith.constant 0 : i32
    %dma_start3A_188 = arith.constant 0 : i32
    %dma_start3A_189 = tpu.memref_slice %arg6[%arg0, %dma_start3A_187, %dma_start3A_188] : memref<2x10240x64xf32, #tpu.memory_space<hbm>> -> memref<1x10240x64xf32, #tpu.memory_space<hbm>>
    %dma_start3A_190 = tpu.memref_squeeze %dma_start3A_189 : memref<1x10240x64xf32, #tpu.memory_space<hbm>> -> memref<10240x64xf32, #tpu.memory_space<hbm>>
    %dma_start3A_191 = arith.constant 0 : i32
    %dma_start3A_192 = arith.constant 0 : i32
    %dma_start3A_193 = tpu.memref_slice %dma_start3A_190[%dma_start3A_191, %dma_start3A_192] : memref<10240x64xf32, #tpu.memory_space<hbm>> -> memref<10240x64xf32, #tpu.memory_space<hbm>>
    tpu.enqueue_indirect_dma source(%dma_start3A_193 : memref<10240x64xf32, #tpu.memory_space<hbm>>) target(%arg11 : memref<128x64xf32, #tpu.memory_space<vmem>>) offsets(%dma_start3A_186 : memref<128xi32, #tpu.memory_space<vmem>>) semaphore(%arg17 : memref<!tpu.dma_semaphore, #tpu.memory_space<semaphore_mem>>)
    %dma_start3A_194 = arith.constant 1 : i32
    %dma_start3A_195 = arith.constant 0 : i32
    %dma_start3A_196 = arith.constant 0 : i32
    %dma_start3A_197 = tpu.memref_slice %arg5[%arg1, %dma_start3A_195, %dma_start3A_196] : memref<16x158x2048xf32, #tpu.memory_space<hbm>> -> memref<1x158x2048xf32, #tpu.memory_space<hbm>>
    %dma_start3A_198 = tpu.memref_squeeze %dma_start3A_197 : memref<1x158x2048xf32, #tpu.memory_space<hbm>> -> memref<158x2048xf32, #tpu.memory_space<hbm>>
    %dma_start3A_199 = arith.constant 0 : i32
    %dma_start3A_200 = tpu.memref_slice %dma_start3A_198[%dma_start3A_194, %dma_start3A_199] : memref<158x2048xf32, #tpu.memory_space<hbm>> -> memref<1x2048xf32, #tpu.memory_space<hbm>>
    %dma_start3A_201 = tpu.memref_squeeze %dma_start3A_200 : memref<1x2048xf32, #tpu.memory_space<hbm>> -> memref<2048xf32, #tpu.memory_space<hbm>>
    %dma_start3A_202 = arith.constant 0 : i32
    %dma_start3A_203 = arith.constant 0 : i32
    %dma_start3A_204 = tpu.memref_slice %arg5[%arg1, %dma_start3A_202, %dma_start3A_203] : memref<16x158x2048xf32, #tpu.memory_space<hbm>> -> memref<1x158x2048xf32, #tpu.memory_space<hbm>>
    %dma_start3A_205 = tpu.memref_squeeze %dma_start3A_204 : memref<1x158x2048xf32, #tpu.memory_space<hbm>> -> memref<158x2048xf32, #tpu.memory_space<hbm>>
    %dma_start3A_206 = arith.constant 0 : i32
    %dma_start3A_207 = tpu.memref_slice %dma_start3A_205[%dma_start3A_194, %dma_start3A_206] : memref<158x2048xf32, #tpu.memory_space<hbm>> -> memref<1x2048xf32, #tpu.memory_space<hbm>>
    %dma_start3A_208 = tpu.memref_squeeze %dma_start3A_207 : memref<1x2048xf32, #tpu.memory_space<hbm>> -> memref<2048xf32, #tpu.memory_space<hbm>>
    tpu.enqueue_dma source(%dma_start3A_208 : memref<2048xf32, #tpu.memory_space<hbm>>) target(%arg13 : memref<2048xf32, #tpu.memory_space<vmem>>) target_semaphore(%arg17 : memref<!tpu.dma_semaphore, #tpu.memory_space<semaphore_mem>>)
    %scan3A_209 = arith.constant 0 : i32
    %scan3A_210 = arith.constant 0 : i32
    %scan3A_211 = arith.constant 79 : i32
    %scan3A_212 = arith.addi %scan3A_210, %scan3A_211 : i32
    %scan3A_213 = arith.constant 1 : i32
    scf.for %scan3A_272 = %scan3A_210 to %scan3A_212 step %scan3A_213  : i32 {
      %mul3A_273 = arith.constant 2 : i32
      %mul3A_274 = arith.muli %mul3A_273, %scan3A_272 : i32
      %dma_wait3A_275 = arith.constant 0 : i32
      %dma_wait3A_276 = tpu.memref_slice %arg8[%mul3A_274, %dma_wait3A_275] : memref<158x128xi32, #tpu.memory_space<vmem>> -> memref<1x128xi32, #tpu.memory_space<vmem>>
      %dma_wait3A_277 = tpu.memref_squeeze %dma_wait3A_276 : memref<1x128xi32, #tpu.memory_space<vmem>> -> memref<128xi32, #tpu.memory_space<vmem>>
      %dma_wait3A_278 = arith.constant 0 : i32
      %dma_wait3A_279 = arith.constant 0 : i32
      %dma_wait3A_280 = tpu.memref_slice %arg6[%arg0, %dma_wait3A_278, %dma_wait3A_279] : memref<2x10240x64xf32, #tpu.memory_space<hbm>> -> memref<1x10240x64xf32, #tpu.memory_space<hbm>>
      %dma_wait3A_281 = tpu.memref_squeeze %dma_wait3A_280 : memref<1x10240x64xf32, #tpu.memory_space<hbm>> -> memref<10240x64xf32, #tpu.memory_space<hbm>>
      %dma_wait3A_282 = arith.constant 0 : i32
      %dma_wait3A_283 = arith.constant 0 : i32
      %dma_wait3A_284 = tpu.memref_slice %dma_wait3A_281[%dma_wait3A_282, %dma_wait3A_283] : memref<10240x64xf32, #tpu.memory_space<hbm>> -> memref<10240x64xf32, #tpu.memory_space<hbm>>
      tpu.wait_indirect_dma semaphore(%arg16 : memref<!tpu.dma_semaphore, #tpu.memory_space<semaphore_mem>>) src(%dma_wait3A_284 : memref<10240x64xf32, #tpu.memory_space<hbm>>) dst(%arg10 : memref<128x64xf32, #tpu.memory_space<vmem>>)
      %dma_wait3A_285 = arith.constant 0 : i32
      %dma_wait3A_286 = arith.constant 0 : i32
      %dma_wait3A_287 = tpu.memref_slice %arg5[%arg1, %dma_wait3A_285, %dma_wait3A_286] : memref<16x158x2048xf32, #tpu.memory_space<hbm>> -> memref<1x158x2048xf32, #tpu.memory_space<hbm>>
      %dma_wait3A_288 = tpu.memref_squeeze %dma_wait3A_287 : memref<1x158x2048xf32, #tpu.memory_space<hbm>> -> memref<158x2048xf32, #tpu.memory_space<hbm>>
      %dma_wait3A_289 = arith.constant 0 : i32
      %dma_wait3A_290 = tpu.memref_slice %dma_wait3A_288[%mul3A_274, %dma_wait3A_289] : memref<158x2048xf32, #tpu.memory_space<hbm>> -> memref<1x2048xf32, #tpu.memory_space<hbm>>
      %dma_wait3A_291 = tpu.memref_squeeze %dma_wait3A_290 : memref<1x2048xf32, #tpu.memory_space<hbm>> -> memref<2048xf32, #tpu.memory_space<hbm>>
      %dma_wait3A_292 = arith.constant 0 : i32
      %dma_wait3A_293 = arith.constant 0 : i32
      %dma_wait3A_294 = tpu.memref_slice %arg5[%arg1, %dma_wait3A_292, %dma_wait3A_293] : memref<16x158x2048xf32, #tpu.memory_space<hbm>> -> memref<1x158x2048xf32, #tpu.memory_space<hbm>>
      %dma_wait3A_295 = tpu.memref_squeeze %dma_wait3A_294 : memref<1x158x2048xf32, #tpu.memory_space<hbm>> -> memref<158x2048xf32, #tpu.memory_space<hbm>>
      %dma_wait3A_296 = arith.constant 0 : i32
      %dma_wait3A_297 = tpu.memref_slice %dma_wait3A_295[%mul3A_274, %dma_wait3A_296] : memref<158x2048xf32, #tpu.memory_space<hbm>> -> memref<1x2048xf32, #tpu.memory_space<hbm>>
      %dma_wait3A_298 = tpu.memref_squeeze %dma_wait3A_297 : memref<1x2048xf32, #tpu.memory_space<hbm>> -> memref<2048xf32, #tpu.memory_space<hbm>>
      tpu.wait_dma2 semaphore(%arg16 : memref<!tpu.dma_semaphore, #tpu.memory_space<semaphore_mem>>) src(%dma_wait3A_298 : memref<2048xf32, #tpu.memory_space<hbm>>) dst(%arg12 : memref<2048xf32, #tpu.memory_space<vmem>>)
      %parallel_loop3A = arith.constant 0 : i32
      %parallel_loop3A_299 = arith.constant 128 : i32
      %parallel_loop3A_300 = arith.constant 1 : i32
      %parallel_loop3A_301 = arith.constant 0 : i32
      %parallel_loop3A_302 = scf.for %parallel_loop3A_389 = %parallel_loop3A to %parallel_loop3A_299 step %parallel_loop3A_300 iter_args(%parallel_loop3A_390 = %parallel_loop3A_301) -> (i32)  : i32 {
        %parallel_loop3A_391 = arith.constant 16 : i32
        %parallel_loop3A_392 = arith.muli %parallel_loop3A_389, %parallel_loop3A_391 : i32
        %parallel_loop3A_393 = arith.index_cast %parallel_loop3A_392 : i32 to index
        %parallel_loop3A_394 = tpu.vector_load %arg12[%parallel_loop3A_393] {strides = array<i32>} : memref<2048xf32, #tpu.memory_space<vmem>>, vector<16xf32>,
        %parallel_loop3A_395 = vector.shape_cast %parallel_loop3A_394 : vector<16xf32> to vector<16xf32>
        %parallel_loop3A_396 = arith.index_cast %parallel_loop3A_389 : i32 to index
        %parallel_loop3A_397 = arith.constant 0 : index
        %parallel_loop3A_398 = tpu.vector_load %arg10[%parallel_loop3A_396, %parallel_loop3A_397] {strides = array<i32>} : memref<128x64xf32, #tpu.memory_space<vmem>>, vector<1x16xf32>,
        %parallel_loop3A_399 = vector.shape_cast %parallel_loop3A_398 : vector<1x16xf32> to vector<16xf32>
        %parallel_loop3A_400 = arith.mulf %parallel_loop3A_399, %parallel_loop3A_395 : vector<16xf32>
        %parallel_loop3A_401 = arith.index_cast %parallel_loop3A_389 : i32 to index
        %parallel_loop3A_402 = arith.constant 0 : index
        %parallel_loop3A_403 = tpu.vector_load %arg10[%parallel_loop3A_401, %parallel_loop3A_402] {strides = array<i32>} : memref<128x64xf32, #tpu.memory_space<vmem>>, vector<1x16xf32>,
        %parallel_loop3A_404 = vector.shape_cast %parallel_loop3A_403 : vector<1x16xf32> to vector<16xf32>
        %parallel_loop3A_405 = vector.shape_cast %parallel_loop3A_400 : vector<16xf32> to vector<1x16xf32>
        tpu.vector_store %arg10[%parallel_loop3A_401, %parallel_loop3A_402], %parallel_loop3A_405 {strides = array<i32>} : memref<128x64xf32, #tpu.memory_space<vmem>>, vector<1x16xf32>,
        %parallel_loop3A_406 = arith.index_cast %parallel_loop3A_389 : i32 to index
        %parallel_loop3A_407 = arith.constant 16 : index
        %parallel_loop3A_408 = tpu.vector_load %arg10[%parallel_loop3A_406, %parallel_loop3A_407] {strides = array<i32>} : memref<128x64xf32, #tpu.memory_space<vmem>>, vector<1x16xf32>,
        %parallel_loop3A_409 = vector.shape_cast %parallel_loop3A_408 : vector<1x16xf32> to vector<16xf32>
        %parallel_loop3A_410 = arith.mulf %parallel_loop3A_409, %parallel_loop3A_395 : vector<16xf32>
        %parallel_loop3A_411 = arith.index_cast %parallel_loop3A_389 : i32 to index
        %parallel_loop3A_412 = arith.constant 16 : index
        %parallel_loop3A_413 = tpu.vector_load %arg10[%parallel_loop3A_411, %parallel_loop3A_412] {strides = array<i32>} : memref<128x64xf32, #tpu.memory_space<vmem>>, vector<1x16xf32>,
        %parallel_loop3A_414 = vector.shape_cast %parallel_loop3A_413 : vector<1x16xf32> to vector<16xf32>
        %parallel_loop3A_415 = vector.shape_cast %parallel_loop3A_410 : vector<16xf32> to vector<1x16xf32>
        tpu.vector_store %arg10[%parallel_loop3A_411, %parallel_loop3A_412], %parallel_loop3A_415 {strides = array<i32>} : memref<128x64xf32, #tpu.memory_space<vmem>>, vector<1x16xf32>,
        %parallel_loop3A_416 = arith.index_cast %parallel_loop3A_389 : i32 to index
        %parallel_loop3A_417 = arith.constant 32 : index
        %parallel_loop3A_418 = tpu.vector_load %arg10[%parallel_loop3A_416, %parallel_loop3A_417] {strides = array<i32>} : memref<128x64xf32, #tpu.memory_space<vmem>>, vector<1x16xf32>,
        %parallel_loop3A_419 = vector.shape_cast %parallel_loop3A_418 : vector<1x16xf32> to vector<16xf32>
        %parallel_loop3A_420 = arith.mulf %parallel_loop3A_419, %parallel_loop3A_395 : vector<16xf32>
        %parallel_loop3A_421 = arith.index_cast %parallel_loop3A_389 : i32 to index
        %parallel_loop3A_422 = arith.constant 32 : index
        %parallel_loop3A_423 = tpu.vector_load %arg10[%parallel_loop3A_421, %parallel_loop3A_422] {strides = array<i32>} : memref<128x64xf32, #tpu.memory_space<vmem>>, vector<1x16xf32>,
        %parallel_loop3A_424 = vector.shape_cast %parallel_loop3A_423 : vector<1x16xf32> to vector<16xf32>
        %parallel_loop3A_425 = vector.shape_cast %parallel_loop3A_420 : vector<16xf32> to vector<1x16xf32>
        tpu.vector_store %arg10[%parallel_loop3A_421, %parallel_loop3A_422], %parallel_loop3A_425 {strides = array<i32>} : memref<128x64xf32, #tpu.memory_space<vmem>>, vector<1x16xf32>,
        %parallel_loop3A_426 = arith.index_cast %parallel_loop3A_389 : i32 to index
        %parallel_loop3A_427 = arith.constant 48 : index
        %parallel_loop3A_428 = tpu.vector_load %arg10[%parallel_loop3A_426, %parallel_loop3A_427] {strides = array<i32>} : memref<128x64xf32, #tpu.memory_space<vmem>>, vector<1x16xf32>,
        %parallel_loop3A_429 = vector.shape_cast %parallel_loop3A_428 : vector<1x16xf32> to vector<16xf32>
        %parallel_loop3A_430 = arith.mulf %parallel_loop3A_429, %parallel_loop3A_395 : vector<16xf32>
        %parallel_loop3A_431 = arith.index_cast %parallel_loop3A_389 : i32 to index
        %parallel_loop3A_432 = arith.constant 48 : index
        %parallel_loop3A_433 = tpu.vector_load %arg10[%parallel_loop3A_431, %parallel_loop3A_432] {strides = array<i32>} : memref<128x64xf32, #tpu.memory_space<vmem>>, vector<1x16xf32>,
        %parallel_loop3A_434 = vector.shape_cast %parallel_loop3A_433 : vector<1x16xf32> to vector<16xf32>
        %parallel_loop3A_435 = vector.shape_cast %parallel_loop3A_430 : vector<16xf32> to vector<1x16xf32>
        tpu.vector_store %arg10[%parallel_loop3A_431, %parallel_loop3A_432], %parallel_loop3A_435 {strides = array<i32>} : memref<128x64xf32, #tpu.memory_space<vmem>>, vector<1x16xf32>,
        scf.yield %parallel_loop3A_390 : i32
      } {sc.loop_unroll_factor = 8 : i64, sc.parallel_access}
      "tpu.region"() ({
        %run_scoped3A = tpu.sem_alloc : memref<!tpu.dma_semaphore, #tpu.memory_space<semaphore_mem>>
        %dma_start3A_389 = arith.constant 0 : i32
        %dma_start3A_390 = tpu.memref_slice %arg9[%mul3A_274, %dma_start3A_389] : memref<158x128xi32, #tpu.memory_space<vmem>> -> memref<1x128xi32, #tpu.memory_space<vmem>>
        %dma_start3A_391 = tpu.memref_squeeze %dma_start3A_390 : memref<1x128xi32, #tpu.memory_space<vmem>> -> memref<128xi32, #tpu.memory_space<vmem>>
        %dma_start3A_392 = arith.constant 0 : i32
        %dma_start3A_393 = arith.constant 0 : i32
        %dma_start3A_394 = tpu.memref_slice %arg15[%dma_start3A_392, %dma_start3A_393] : memref<10240x64xf32, #tpu.memory_space<vmem_shared>> -> memref<10240x64xf32, #tpu.memory_space<vmem_shared>>
        tpu.enqueue_indirect_dma source(%arg10 : memref<128x64xf32, #tpu.memory_space<vmem>>) target(%dma_start3A_394 : memref<10240x64xf32, #tpu.memory_space<vmem_shared>>) offsets(%dma_start3A_391 : memref<128xi32, #tpu.memory_space<vmem>>) semaphore(%run_scoped3A : memref<!tpu.dma_semaphore, #tpu.memory_space<semaphore_mem>>) {add = true}
        %dma_wait3A_395 = arith.constant 0 : i32
        %dma_wait3A_396 = tpu.memref_slice %arg9[%mul3A_274, %dma_wait3A_395] : memref<158x128xi32, #tpu.memory_space<vmem>> -> memref<1x128xi32, #tpu.memory_space<vmem>>
        %dma_wait3A_397 = tpu.memref_squeeze %dma_wait3A_396 : memref<1x128xi32, #tpu.memory_space<vmem>> -> memref<128xi32, #tpu.memory_space<vmem>>
        %dma_wait3A_398 = arith.constant 0 : i32
        %dma_wait3A_399 = arith.constant 0 : i32
        %dma_wait3A_400 = tpu.memref_slice %arg15[%dma_wait3A_398, %dma_wait3A_399] : memref<10240x64xf32, #tpu.memory_space<vmem_shared>> -> memref<10240x64xf32, #tpu.memory_space<vmem_shared>>
        tpu.wait_indirect_dma semaphore(%run_scoped3A : memref<!tpu.dma_semaphore, #tpu.memory_space<semaphore_mem>>) src(%arg10 : memref<128x64xf32, #tpu.memory_space<vmem>>) dst(%dma_wait3A_400 : memref<10240x64xf32, #tpu.memory_space<vmem_shared>>)
        tpu.yield
      }) : () -> ()
      %add3A_303 = arith.constant 2 : i32
      %add3A_304 = arith.addi %mul3A_274, %add3A_303 : i32
      %min3A = arith.constant 156 : i32
      %min3A_305 = arith.minsi %add3A_304, %min3A : i32
      %dma_start3A_306 = arith.constant 0 : i32
      %dma_start3A_307 = tpu.memref_slice %arg8[%min3A_305, %dma_start3A_306] : memref<158x128xi32, #tpu.memory_space<vmem>> -> memref<1x128xi32, #tpu.memory_space<vmem>>
      %dma_start3A_308 = tpu.memref_squeeze %dma_start3A_307 : memref<1x128xi32, #tpu.memory_space<vmem>> -> memref<128xi32, #tpu.memory_space<vmem>>
      %dma_start3A_309 = arith.constant 0 : i32
      %dma_start3A_310 = arith.constant 0 : i32
      %dma_start3A_311 = tpu.memref_slice %arg6[%arg0, %dma_start3A_309, %dma_start3A_310] : memref<2x10240x64xf32, #tpu.memory_space<hbm>> -> memref<1x10240x64xf32, #tpu.memory_space<hbm>>
      %dma_start3A_312 = tpu.memref_squeeze %dma_start3A_311 : memref<1x10240x64xf32, #tpu.memory_space<hbm>> -> memref<10240x64xf32, #tpu.memory_space<hbm>>
      %dma_start3A_313 = arith.constant 0 : i32
      %dma_start3A_314 = arith.constant 0 : i32
      %dma_start3A_315 = tpu.memref_slice %dma_start3A_312[%dma_start3A_313, %dma_start3A_314] : memref<10240x64xf32, #tpu.memory_space<hbm>> -> memref<10240x64xf32, #tpu.memory_space<hbm>>
      tpu.enqueue_indirect_dma source(%dma_start3A_315 : memref<10240x64xf32, #tpu.memory_space<hbm>>) target(%arg10 : memref<128x64xf32, #tpu.memory_space<vmem>>) offsets(%dma_start3A_308 : memref<128xi32, #tpu.memory_space<vmem>>) semaphore(%arg16 : memref<!tpu.dma_semaphore, #tpu.memory_space<semaphore_mem>>)
      %dma_start3A_316 = arith.constant 0 : i32
      %dma_start3A_317 = arith.constant 0 : i32
      %dma_start3A_318 = tpu.memref_slice %arg5[%arg1, %dma_start3A_316, %dma_start3A_317] : memref<16x158x2048xf32, #tpu.memory_space<hbm>> -> memref<1x158x2048xf32, #tpu.memory_space<hbm>>
      %dma_start3A_319 = tpu.memref_squeeze %dma_start3A_318 : memref<1x158x2048xf32, #tpu.memory_space<hbm>> -> memref<158x2048xf32, #tpu.memory_space<hbm>>
      %dma_start3A_320 = arith.constant 0 : i32
      %dma_start3A_321 = tpu.memref_slice %dma_start3A_319[%min3A_305, %dma_start3A_320] : memref<158x2048xf32, #tpu.memory_space<hbm>> -> memref<1x2048xf32, #tpu.memory_space<hbm>>
      %dma_start3A_322 = tpu.memref_squeeze %dma_start3A_321 : memref<1x2048xf32, #tpu.memory_space<hbm>> -> memref<2048xf32, #tpu.memory_space<hbm>>
      %dma_start3A_323 = arith.constant 0 : i32
      %dma_start3A_324 = arith.constant 0 : i32
      %dma_start3A_325 = tpu.memref_slice %arg5[%arg1, %dma_start3A_323, %dma_start3A_324] : memref<16x158x2048xf32, #tpu.memory_space<hbm>> -> memref<1x158x2048xf32, #tpu.memory_space<hbm>>
      %dma_start3A_326 = tpu.memref_squeeze %dma_start3A_325 : memref<1x158x2048xf32, #tpu.memory_space<hbm>> -> memref<158x2048xf32, #tpu.memory_space<hbm>>
      %dma_start3A_327 = arith.constant 0 : i32
      %dma_start3A_328 = tpu.memref_slice %dma_start3A_326[%min3A_305, %dma_start3A_327] : memref<158x2048xf32, #tpu.memory_space<hbm>> -> memref<1x2048xf32, #tpu.memory_space<hbm>>
      %dma_start3A_329 = tpu.memref_squeeze %dma_start3A_328 : memref<1x2048xf32, #tpu.memory_space<hbm>> -> memref<2048xf32, #tpu.memory_space<hbm>>
      tpu.enqueue_dma source(%dma_start3A_329 : memref<2048xf32, #tpu.memory_space<hbm>>) target(%arg12 : memref<2048xf32, #tpu.memory_space<vmem>>) target_semaphore(%arg16 : memref<!tpu.dma_semaphore, #tpu.memory_space<semaphore_mem>>)
      %add3A_330 = arith.constant 1 : i32
      %add3A_331 = arith.addi %mul3A_274, %add3A_330 : i32
      %dma_wait3A_332 = arith.constant 0 : i32
      %dma_wait3A_333 = tpu.memref_slice %arg8[%add3A_331, %dma_wait3A_332] : memref<158x128xi32, #tpu.memory_space<vmem>> -> memref<1x128xi32, #tpu.memory_space<vmem>>
      %dma_wait3A_334 = tpu.memref_squeeze %dma_wait3A_333 : memref<1x128xi32, #tpu.memory_space<vmem>> -> memref<128xi32, #tpu.memory_space<vmem>>
      %dma_wait3A_335 = arith.constant 0 : i32
      %dma_wait3A_336 = arith.constant 0 : i32
      %dma_wait3A_337 = tpu.memref_slice %arg6[%arg0, %dma_wait3A_335, %dma_wait3A_336] : memref<2x10240x64xf32, #tpu.memory_space<hbm>> -> memref<1x10240x64xf32, #tpu.memory_space<hbm>>
      %dma_wait3A_338 = tpu.memref_squeeze %dma_wait3A_337 : memref<1x10240x64xf32, #tpu.memory_space<hbm>> -> memref<10240x64xf32, #tpu.memory_space<hbm>>
      %dma_wait3A_339 = arith.constant 0 : i32
      %dma_wait3A_340 = arith.constant 0 : i32
      %dma_wait3A_341 = tpu.memref_slice %dma_wait3A_338[%dma_wait3A_339, %dma_wait3A_340] : memref<10240x64xf32, #tpu.memory_space<hbm>> -> memref<10240x64xf32, #tpu.memory_space<hbm>>
      tpu.wait_indirect_dma semaphore(%arg17 : memref<!tpu.dma_semaphore, #tpu.memory_space<semaphore_mem>>) src(%dma_wait3A_341 : memref<10240x64xf32, #tpu.memory_space<hbm>>) dst(%arg11 : memref<128x64xf32, #tpu.memory_space<vmem>>)
      %dma_wait3A_342 = arith.constant 0 : i32
      %dma_wait3A_343 = arith.constant 0 : i32
      %dma_wait3A_344 = tpu.memref_slice %arg5[%arg1, %dma_wait3A_342, %dma_wait3A_343] : memref<16x158x2048xf32, #tpu.memory_space<hbm>> -> memref<1x158x2048xf32, #tpu.memory_space<hbm>>
      %dma_wait3A_345 = tpu.memref_squeeze %dma_wait3A_344 : memref<1x158x2048xf32, #tpu.memory_space<hbm>> -> memref<158x2048xf32, #tpu.memory_space<hbm>>
      %dma_wait3A_346 = arith.constant 0 : i32
      %dma_wait3A_347 = tpu.memref_slice %dma_wait3A_345[%add3A_331, %dma_wait3A_346] : memref<158x2048xf32, #tpu.memory_space<hbm>> -> memref<1x2048xf32, #tpu.memory_space<hbm>>
      %dma_wait3A_348 = tpu.memref_squeeze %dma_wait3A_347 : memref<1x2048xf32, #tpu.memory_space<hbm>> -> memref<2048xf32, #tpu.memory_space<hbm>>
      %dma_wait3A_349 = arith.constant 0 : i32
      %dma_wait3A_350 = arith.constant 0 : i32
      %dma_wait3A_351 = tpu.memref_slice %arg5[%arg1, %dma_wait3A_349, %dma_wait3A_350] : memref<16x158x2048xf32, #tpu.memory_space<hbm>> -> memref<1x158x2048xf32, #tpu.memory_space<hbm>>
      %dma_wait3A_352 = tpu.memref_squeeze %dma_wait3A_351 : memref<1x158x2048xf32, #tpu.memory_space<hbm>> -> memref<158x2048xf32, #tpu.memory_space<hbm>>
      %dma_wait3A_353 = arith.constant 0 : i32
      %dma_wait3A_354 = tpu.memref_slice %dma_wait3A_352[%add3A_331, %dma_wait3A_353] : memref<158x2048xf32, #tpu.memory_space<hbm>> -> memref<1x2048xf32, #tpu.memory_space<hbm>>
      %dma_wait3A_355 = tpu.memref_squeeze %dma_wait3A_354 : memref<1x2048xf32, #tpu.memory_space<hbm>> -> memref<2048xf32, #tpu.memory_space<hbm>>
      tpu.wait_dma2 semaphore(%arg17 : memref<!tpu.dma_semaphore, #tpu.memory_space<semaphore_mem>>) src(%dma_wait3A_355 : memref<2048xf32, #tpu.memory_space<hbm>>) dst(%arg13 : memref<2048xf32, #tpu.memory_space<vmem>>)
      %parallel_loop3A_356 = arith.constant 0 : i32
      %parallel_loop3A_357 = arith.constant 128 : i32
      %parallel_loop3A_358 = arith.constant 1 : i32
      %parallel_loop3A_359 = arith.constant 0 : i32
      %parallel_loop3A_360 = scf.for %parallel_loop3A_389 = %parallel_loop3A_356 to %parallel_loop3A_357 step %parallel_loop3A_358 iter_args(%parallel_loop3A_390 = %parallel_loop3A_359) -> (i32)  : i32 {
        %parallel_loop3A_391 = arith.constant 16 : i32
        %parallel_loop3A_392 = arith.muli %parallel_loop3A_389, %parallel_loop3A_391 : i32
        %parallel_loop3A_393 = arith.index_cast %parallel_loop3A_392 : i32 to index
        %parallel_loop3A_394 = tpu.vector_load %arg13[%parallel_loop3A_393] {strides = array<i32>} : memref<2048xf32, #tpu.memory_space<vmem>>, vector<16xf32>,
        %parallel_loop3A_395 = vector.shape_cast %parallel_loop3A_394 : vector<16xf32> to vector<16xf32>
        %parallel_loop3A_396 = arith.index_cast %parallel_loop3A_389 : i32 to index
        %parallel_loop3A_397 = arith.constant 0 : index
        %parallel_loop3A_398 = tpu.vector_load %arg11[%parallel_loop3A_396, %parallel_loop3A_397] {strides = array<i32>} : memref<128x64xf32, #tpu.memory_space<vmem>>, vector<1x16xf32>,
        %parallel_loop3A_399 = vector.shape_cast %parallel_loop3A_398 : vector<1x16xf32> to vector<16xf32>
        %parallel_loop3A_400 = arith.mulf %parallel_loop3A_399, %parallel_loop3A_395 : vector<16xf32>
        %parallel_loop3A_401 = arith.index_cast %parallel_loop3A_389 : i32 to index
        %parallel_loop3A_402 = arith.constant 0 : index
        %parallel_loop3A_403 = tpu.vector_load %arg11[%parallel_loop3A_401, %parallel_loop3A_402] {strides = array<i32>} : memref<128x64xf32, #tpu.memory_space<vmem>>, vector<1x16xf32>,
        %parallel_loop3A_404 = vector.shape_cast %parallel_loop3A_403 : vector<1x16xf32> to vector<16xf32>
        %parallel_loop3A_405 = vector.shape_cast %parallel_loop3A_400 : vector<16xf32> to vector<1x16xf32>
        tpu.vector_store %arg11[%parallel_loop3A_401, %parallel_loop3A_402], %parallel_loop3A_405 {strides = array<i32>} : memref<128x64xf32, #tpu.memory_space<vmem>>, vector<1x16xf32>,
        %parallel_loop3A_406 = arith.index_cast %parallel_loop3A_389 : i32 to index
        %parallel_loop3A_407 = arith.constant 16 : index
        %parallel_loop3A_408 = tpu.vector_load %arg11[%parallel_loop3A_406, %parallel_loop3A_407] {strides = array<i32>} : memref<128x64xf32, #tpu.memory_space<vmem>>, vector<1x16xf32>,
        %parallel_loop3A_409 = vector.shape_cast %parallel_loop3A_408 : vector<1x16xf32> to vector<16xf32>
        %parallel_loop3A_410 = arith.mulf %parallel_loop3A_409, %parallel_loop3A_395 : vector<16xf32>
        %parallel_loop3A_411 = arith.index_cast %parallel_loop3A_389 : i32 to index
        %parallel_loop3A_412 = arith.constant 16 : index
        %parallel_loop3A_413 = tpu.vector_load %arg11[%parallel_loop3A_411, %parallel_loop3A_412] {strides = array<i32>} : memref<128x64xf32, #tpu.memory_space<vmem>>, vector<1x16xf32>,
        %parallel_loop3A_414 = vector.shape_cast %parallel_loop3A_413 : vector<1x16xf32> to vector<16xf32>
        %parallel_loop3A_415 = vector.shape_cast %parallel_loop3A_410 : vector<16xf32> to vector<1x16xf32>
        tpu.vector_store %arg11[%parallel_loop3A_411, %parallel_loop3A_412], %parallel_loop3A_415 {strides = array<i32>} : memref<128x64xf32, #tpu.memory_space<vmem>>, vector<1x16xf32>,
        %parallel_loop3A_416 = arith.index_cast %parallel_loop3A_389 : i32 to index
        %parallel_loop3A_417 = arith.constant 32 : index
        %parallel_loop3A_418 = tpu.vector_load %arg11[%parallel_loop3A_416, %parallel_loop3A_417] {strides = array<i32>} : memref<128x64xf32, #tpu.memory_space<vmem>>, vector<1x16xf32>,
        %parallel_loop3A_419 = vector.shape_cast %parallel_loop3A_418 : vector<1x16xf32> to vector<16xf32>
        %parallel_loop3A_420 = arith.mulf %parallel_loop3A_419, %parallel_loop3A_395 : vector<16xf32>
        %parallel_loop3A_421 = arith.index_cast %parallel_loop3A_389 : i32 to index
        %parallel_loop3A_422 = arith.constant 32 : index
        %parallel_loop3A_423 = tpu.vector_load %arg11[%parallel_loop3A_421, %parallel_loop3A_422] {strides = array<i32>} : memref<128x64xf32, #tpu.memory_space<vmem>>, vector<1x16xf32>,
        %parallel_loop3A_424 = vector.shape_cast %parallel_loop3A_423 : vector<1x16xf32> to vector<16xf32>
        %parallel_loop3A_425 = vector.shape_cast %parallel_loop3A_420 : vector<16xf32> to vector<1x16xf32>
        tpu.vector_store %arg11[%parallel_loop3A_421, %parallel_loop3A_422], %parallel_loop3A_425 {strides = array<i32>} : memref<128x64xf32, #tpu.memory_space<vmem>>, vector<1x16xf32>,
        %parallel_loop3A_426 = arith.index_cast %parallel_loop3A_389 : i32 to index
        %parallel_loop3A_427 = arith.constant 48 : index
        %parallel_loop3A_428 = tpu.vector_load %arg11[%parallel_loop3A_426, %parallel_loop3A_427] {strides = array<i32>} : memref<128x64xf32, #tpu.memory_space<vmem>>, vector<1x16xf32>,
        %parallel_loop3A_429 = vector.shape_cast %parallel_loop3A_428 : vector<1x16xf32> to vector<16xf32>
        %parallel_loop3A_430 = arith.mulf %parallel_loop3A_429, %parallel_loop3A_395 : vector<16xf32>
        %parallel_loop3A_431 = arith.index_cast %parallel_loop3A_389 : i32 to index
        %parallel_loop3A_432 = arith.constant 48 : index
        %parallel_loop3A_433 = tpu.vector_load %arg11[%parallel_loop3A_431, %parallel_loop3A_432] {strides = array<i32>} : memref<128x64xf32, #tpu.memory_space<vmem>>, vector<1x16xf32>,
        %parallel_loop3A_434 = vector.shape_cast %parallel_loop3A_433 : vector<1x16xf32> to vector<16xf32>
        %parallel_loop3A_435 = vector.shape_cast %parallel_loop3A_430 : vector<16xf32> to vector<1x16xf32>
        tpu.vector_store %arg11[%parallel_loop3A_431, %parallel_loop3A_432], %parallel_loop3A_435 {strides = array<i32>} : memref<128x64xf32, #tpu.memory_space<vmem>>, vector<1x16xf32>,
        scf.yield %parallel_loop3A_390 : i32
      } {sc.loop_unroll_factor = 8 : i64, sc.parallel_access}
      "tpu.region"() ({
        %run_scoped3A = tpu.sem_alloc : memref<!tpu.dma_semaphore, #tpu.memory_space<semaphore_mem>>
        %dma_start3A_389 = arith.constant 0 : i32
        %dma_start3A_390 = tpu.memref_slice %arg9[%add3A_331, %dma_start3A_389] : memref<158x128xi32, #tpu.memory_space<vmem>> -> memref<1x128xi32, #tpu.memory_space<vmem>>
        %dma_start3A_391 = tpu.memref_squeeze %dma_start3A_390 : memref<1x128xi32, #tpu.memory_space<vmem>> -> memref<128xi32, #tpu.memory_space<vmem>>
        %dma_start3A_392 = arith.constant 0 : i32
        %dma_start3A_393 = arith.constant 0 : i32
        %dma_start3A_394 = tpu.memref_slice %arg15[%dma_start3A_392, %dma_start3A_393] : memref<10240x64xf32, #tpu.memory_space<vmem_shared>> -> memref<10240x64xf32, #tpu.memory_space<vmem_shared>>
        tpu.enqueue_indirect_dma source(%arg11 : memref<128x64xf32, #tpu.memory_space<vmem>>) target(%dma_start3A_394 : memref<10240x64xf32, #tpu.memory_space<vmem_shared>>) offsets(%dma_start3A_391 : memref<128xi32, #tpu.memory_space<vmem>>) semaphore(%run_scoped3A : memref<!tpu.dma_semaphore, #tpu.memory_space<semaphore_mem>>) {add = true}
        %dma_wait3A_395 = arith.constant 0 : i32
        %dma_wait3A_396 = tpu.memref_slice %arg9[%add3A_331, %dma_wait3A_395] : memref<158x128xi32, #tpu.memory_space<vmem>> -> memref<1x128xi32, #tpu.memory_space<vmem>>
        %dma_wait3A_397 = tpu.memref_squeeze %dma_wait3A_396 : memref<1x128xi32, #tpu.memory_space<vmem>> -> memref<128xi32, #tpu.memory_space<vmem>>
        %dma_wait3A_398 = arith.constant 0 : i32
        %dma_wait3A_399 = arith.constant 0 : i32
        %dma_wait3A_400 = tpu.memref_slice %arg15[%dma_wait3A_398, %dma_wait3A_399] : memref<10240x64xf32, #tpu.memory_space<vmem_shared>> -> memref<10240x64xf32, #tpu.memory_space<vmem_shared>>
        tpu.wait_indirect_dma semaphore(%run_scoped3A : memref<!tpu.dma_semaphore, #tpu.memory_space<semaphore_mem>>) src(%arg11 : memref<128x64xf32, #tpu.memory_space<vmem>>) dst(%dma_wait3A_400 : memref<10240x64xf32, #tpu.memory_space<vmem_shared>>)
        tpu.yield
      }) : () -> ()
      %add3A_361 = arith.constant 2 : i32
      %add3A_362 = arith.addi %add3A_331, %add3A_361 : i32
      %min3A_363 = arith.constant 157 : i32
      %min3A_364 = arith.minsi %add3A_362, %min3A_363 : i32
      %dma_start3A_365 = arith.constant 0 : i32
      %dma_start3A_366 = tpu.memref_slice %arg8[%min3A_364, %dma_start3A_365] : memref<158x128xi32, #tpu.memory_space<vmem>> -> memref<1x128xi32, #tpu.memory_space<vmem>>
      %dma_start3A_367 = tpu.memref_squeeze %dma_start3A_366 : memref<1x128xi32, #tpu.memory_space<vmem>> -> memref<128xi32, #tpu.memory_space<vmem>>
      %dma_start3A_368 = arith.constant 0 : i32
      %dma_start3A_369 = arith.constant 0 : i32
      %dma_start3A_370 = tpu.memref_slice %arg6[%arg0, %dma_start3A_368, %dma_start3A_369] : memref<2x10240x64xf32, #tpu.memory_space<hbm>> -> memref<1x10240x64xf32, #tpu.memory_space<hbm>>
      %dma_start3A_371 = tpu.memref_squeeze %dma_start3A_370 : memref<1x10240x64xf32, #tpu.memory_space<hbm>> -> memref<10240x64xf32, #tpu.memory_space<hbm>>
      %dma_start3A_372 = arith.constant 0 : i32
      %dma_start3A_373 = arith.constant 0 : i32
      %dma_start3A_374 = tpu.memref_slice %dma_start3A_371[%dma_start3A_372, %dma_start3A_373] : memref<10240x64xf32, #tpu.memory_space<hbm>> -> memref<10240x64xf32, #tpu.memory_space<hbm>>
      tpu.enqueue_indirect_dma source(%dma_start3A_374 : memref<10240x64xf32, #tpu.memory_space<hbm>>) target(%arg11 : memref<128x64xf32, #tpu.memory_space<vmem>>) offsets(%dma_start3A_367 : memref<128xi32, #tpu.memory_space<vmem>>) semaphore(%arg17 : memref<!tpu.dma_semaphore, #tpu.memory_space<semaphore_mem>>)
      %dma_start3A_375 = arith.constant 0 : i32
      %dma_start3A_376 = arith.constant 0 : i32
      %dma_start3A_377 = tpu.memref_slice %arg5[%arg1, %dma_start3A_375, %dma_start3A_376] : memref<16x158x2048xf32, #tpu.memory_space<hbm>> -> memref<1x158x2048xf32, #tpu.memory_space<hbm>>
      %dma_start3A_378 = tpu.memref_squeeze %dma_start3A_377 : memref<1x158x2048xf32, #tpu.memory_space<hbm>> -> memref<158x2048xf32, #tpu.memory_space<hbm>>
      %dma_start3A_379 = arith.constant 0 : i32
      %dma_start3A_380 = tpu.memref_slice %dma_start3A_378[%min3A_364, %dma_start3A_379] : memref<158x2048xf32, #tpu.memory_space<hbm>> -> memref<1x2048xf32, #tpu.memory_space<hbm>>
      %dma_start3A_381 = tpu.memref_squeeze %dma_start3A_380 : memref<1x2048xf32, #tpu.memory_space<hbm>> -> memref<2048xf32, #tpu.memory_space<hbm>>
      %dma_start3A_382 = arith.constant 0 : i32
      %dma_start3A_383 = arith.constant 0 : i32
      %dma_start3A_384 = tpu.memref_slice %arg5[%arg1, %dma_start3A_382, %dma_start3A_383] : memref<16x158x2048xf32, #tpu.memory_space<hbm>> -> memref<1x158x2048xf32, #tpu.memory_space<hbm>>
      %dma_start3A_385 = tpu.memref_squeeze %dma_start3A_384 : memref<1x158x2048xf32, #tpu.memory_space<hbm>> -> memref<158x2048xf32, #tpu.memory_space<hbm>>
      %dma_start3A_386 = arith.constant 0 : i32
      %dma_start3A_387 = tpu.memref_slice %dma_start3A_385[%min3A_364, %dma_start3A_386] : memref<158x2048xf32, #tpu.memory_space<hbm>> -> memref<1x2048xf32, #tpu.memory_space<hbm>>
      %dma_start3A_388 = tpu.memref_squeeze %dma_start3A_387 : memref<1x2048xf32, #tpu.memory_space<hbm>> -> memref<2048xf32, #tpu.memory_space<hbm>>
      tpu.enqueue_dma source(%dma_start3A_388 : memref<2048xf32, #tpu.memory_space<hbm>>) target(%arg13 : memref<2048xf32, #tpu.memory_space<vmem>>) target_semaphore(%arg17 : memref<!tpu.dma_semaphore, #tpu.memory_space<semaphore_mem>>)
    }
    %scan3A_214 = arith.constant 79 : i32
    %dma_wait3A_215 = arith.constant 156 : i32
    %dma_wait3A_216 = arith.constant 0 : i32
    %dma_wait3A_217 = tpu.memref_slice %arg8[%dma_wait3A_215, %dma_wait3A_216] : memref<158x128xi32, #tpu.memory_space<vmem>> -> memref<1x128xi32, #tpu.memory_space<vmem>>
    %dma_wait3A_218 = tpu.memref_squeeze %dma_wait3A_217 : memref<1x128xi32, #tpu.memory_space<vmem>> -> memref<128xi32, #tpu.memory_space<vmem>>
    %dma_wait3A_219 = arith.constant 0 : i32
    %dma_wait3A_220 = arith.constant 0 : i32
    %dma_wait3A_221 = tpu.memref_slice %arg6[%arg0, %dma_wait3A_219, %dma_wait3A_220] : memref<2x10240x64xf32, #tpu.memory_space<hbm>> -> memref<1x10240x64xf32, #tpu.memory_space<hbm>>
    %dma_wait3A_222 = tpu.memref_squeeze %dma_wait3A_221 : memref<1x10240x64xf32, #tpu.memory_space<hbm>> -> memref<10240x64xf32, #tpu.memory_space<hbm>>
    %dma_wait3A_223 = arith.constant 0 : i32
    %dma_wait3A_224 = arith.constant 0 : i32
    %dma_wait3A_225 = tpu.memref_slice %dma_wait3A_222[%dma_wait3A_223, %dma_wait3A_224] : memref<10240x64xf32, #tpu.memory_space<hbm>> -> memref<10240x64xf32, #tpu.memory_space<hbm>>
    tpu.wait_indirect_dma semaphore(%arg16 : memref<!tpu.dma_semaphore, #tpu.memory_space<semaphore_mem>>) src(%dma_wait3A_225 : memref<10240x64xf32, #tpu.memory_space<hbm>>) dst(%arg10 : memref<128x64xf32, #tpu.memory_space<vmem>>)
    %dma_wait3A_226 = arith.constant 156 : i32
    %dma_wait3A_227 = arith.constant 0 : i32
    %dma_wait3A_228 = arith.constant 0 : i32
    %dma_wait3A_229 = tpu.memref_slice %arg5[%arg1, %dma_wait3A_227, %dma_wait3A_228] : memref<16x158x2048xf32, #tpu.memory_space<hbm>> -> memref<1x158x2048xf32, #tpu.memory_space<hbm>>
    %dma_wait3A_230 = tpu.memref_squeeze %dma_wait3A_229 : memref<1x158x2048xf32, #tpu.memory_space<hbm>> -> memref<158x2048xf32, #tpu.memory_space<hbm>>
    %dma_wait3A_231 = arith.constant 0 : i32
    %dma_wait3A_232 = tpu.memref_slice %dma_wait3A_230[%dma_wait3A_226, %dma_wait3A_231] : memref<158x2048xf32, #tpu.memory_space<hbm>> -> memref<1x2048xf32, #tpu.memory_space<hbm>>
    %dma_wait3A_233 = tpu.memref_squeeze %dma_wait3A_232 : memref<1x2048xf32, #tpu.memory_space<hbm>> -> memref<2048xf32, #tpu.memory_space<hbm>>
    %dma_wait3A_234 = arith.constant 0 : i32
    %dma_wait3A_235 = arith.constant 0 : i32
    %dma_wait3A_236 = tpu.memref_slice %arg5[%arg1, %dma_wait3A_234, %dma_wait3A_235] : memref<16x158x2048xf32, #tpu.memory_space<hbm>> -> memref<1x158x2048xf32, #tpu.memory_space<hbm>>
    %dma_wait3A_237 = tpu.memref_squeeze %dma_wait3A_236 : memref<1x158x2048xf32, #tpu.memory_space<hbm>> -> memref<158x2048xf32, #tpu.memory_space<hbm>>
    %dma_wait3A_238 = arith.constant 0 : i32
    %dma_wait3A_239 = tpu.memref_slice %dma_wait3A_237[%dma_wait3A_226, %dma_wait3A_238] : memref<158x2048xf32, #tpu.memory_space<hbm>> -> memref<1x2048xf32, #tpu.memory_space<hbm>>
    %dma_wait3A_240 = tpu.memref_squeeze %dma_wait3A_239 : memref<1x2048xf32, #tpu.memory_space<hbm>> -> memref<2048xf32, #tpu.memory_space<hbm>>
    tpu.wait_dma2 semaphore(%arg16 : memref<!tpu.dma_semaphore, #tpu.memory_space<semaphore_mem>>) src(%dma_wait3A_240 : memref<2048xf32, #tpu.memory_space<hbm>>) dst(%arg12 : memref<2048xf32, #tpu.memory_space<vmem>>)
    %dma_wait3A_241 = arith.constant 157 : i32
    %dma_wait3A_242 = arith.constant 0 : i32
    %dma_wait3A_243 = tpu.memref_slice %arg8[%dma_wait3A_241, %dma_wait3A_242] : memref<158x128xi32, #tpu.memory_space<vmem>> -> memref<1x128xi32, #tpu.memory_space<vmem>>
    %dma_wait3A_244 = tpu.memref_squeeze %dma_wait3A_243 : memref<1x128xi32, #tpu.memory_space<vmem>> -> memref<128xi32, #tpu.memory_space<vmem>>
    %dma_wait3A_245 = arith.constant 0 : i32
    %dma_wait3A_246 = arith.constant 0 : i32
    %dma_wait3A_247 = tpu.memref_slice %arg6[%arg0, %dma_wait3A_245, %dma_wait3A_246] : memref<2x10240x64xf32, #tpu.memory_space<hbm>> -> memref<1x10240x64xf32, #tpu.memory_space<hbm>>
    %dma_wait3A_248 = tpu.memref_squeeze %dma_wait3A_247 : memref<1x10240x64xf32, #tpu.memory_space<hbm>> -> memref<10240x64xf32, #tpu.memory_space<hbm>>
    %dma_wait3A_249 = arith.constant 0 : i32
    %dma_wait3A_250 = arith.constant 0 : i32
    %dma_wait3A_251 = tpu.memref_slice %dma_wait3A_248[%dma_wait3A_249, %dma_wait3A_250] : memref<10240x64xf32, #tpu.memory_space<hbm>> -> memref<10240x64xf32, #tpu.memory_space<hbm>>
    tpu.wait_indirect_dma semaphore(%arg17 : memref<!tpu.dma_semaphore, #tpu.memory_space<semaphore_mem>>) src(%dma_wait3A_251 : memref<10240x64xf32, #tpu.memory_space<hbm>>) dst(%arg11 : memref<128x64xf32, #tpu.memory_space<vmem>>)
    %dma_wait3A_252 = arith.constant 157 : i32
    %dma_wait3A_253 = arith.constant 0 : i32
    %dma_wait3A_254 = arith.constant 0 : i32
    %dma_wait3A_255 = tpu.memref_slice %arg5[%arg1, %dma_wait3A_253, %dma_wait3A_254] : memref<16x158x2048xf32, #tpu.memory_space<hbm>> -> memref<1x158x2048xf32, #tpu.memory_space<hbm>>
    %dma_wait3A_256 = tpu.memref_squeeze %dma_wait3A_255 : memref<1x158x2048xf32, #tpu.memory_space<hbm>> -> memref<158x2048xf32, #tpu.memory_space<hbm>>
    %dma_wait3A_257 = arith.constant 0 : i32
    %dma_wait3A_258 = tpu.memref_slice %dma_wait3A_256[%dma_wait3A_252, %dma_wait3A_257] : memref<158x2048xf32, #tpu.memory_space<hbm>> -> memref<1x2048xf32, #tpu.memory_space<hbm>>
    %dma_wait3A_259 = tpu.memref_squeeze %dma_wait3A_258 : memref<1x2048xf32, #tpu.memory_space<hbm>> -> memref<2048xf32, #tpu.memory_space<hbm>>
    %dma_wait3A_260 = arith.constant 0 : i32
    %dma_wait3A_261 = arith.constant 0 : i32
    %dma_wait3A_262 = tpu.memref_slice %arg5[%arg1, %dma_wait3A_260, %dma_wait3A_261] : memref<16x158x2048xf32, #tpu.memory_space<hbm>> -> memref<1x158x2048xf32, #tpu.memory_space<hbm>>
    %dma_wait3A_263 = tpu.memref_squeeze %dma_wait3A_262 : memref<1x158x2048xf32, #tpu.memory_space<hbm>> -> memref<158x2048xf32, #tpu.memory_space<hbm>>
    %dma_wait3A_264 = arith.constant 0 : i32
    %dma_wait3A_265 = tpu.memref_slice %dma_wait3A_263[%dma_wait3A_252, %dma_wait3A_264] : memref<158x2048xf32, #tpu.memory_space<hbm>> -> memref<1x2048xf32, #tpu.memory_space<hbm>>
    %dma_wait3A_266 = tpu.memref_squeeze %dma_wait3A_265 : memref<1x2048xf32, #tpu.memory_space<hbm>> -> memref<2048xf32, #tpu.memory_space<hbm>>
    tpu.wait_dma2 semaphore(%arg17 : memref<!tpu.dma_semaphore, #tpu.memory_space<semaphore_mem>>) src(%dma_wait3A_266 : memref<2048xf32, #tpu.memory_space<hbm>>) dst(%arg13 : memref<2048xf32, #tpu.memory_space<vmem>>)
    %barrier3A_267 = arith.constant 0 : index
    tpu.barrier barrier_id(%barrier3A_267)
    %mul3A_268 = arith.constant 640 : i32
    %mul3A_269 = arith.muli %arg1, %mul3A_268 : i32
    %mul3A_270 = arith.constant 640 : i32
    %mul3A_271 = arith.muli %arg1, %mul3A_270 : i32
    "tpu.region"() ({
      %run_scoped3A = tpu.sem_alloc : memref<!tpu.dma_semaphore, #tpu.memory_space<semaphore_mem>>
      %dma_start3A_272 = arith.constant 0 : i32
      %dma_start3A_273 = arith.constant 0 : i32
      %dma_start3A_274 = tpu.memref_slice %arg7[%arg0, %dma_start3A_272, %dma_start3A_273] : memref<2x10240x64xf32, #tpu.memory_space<hbm>> -> memref<1x10240x64xf32, #tpu.memory_space<hbm>>
      %dma_start3A_275 = tpu.memref_squeeze %dma_start3A_274 : memref<1x10240x64xf32, #tpu.memory_space<hbm>> -> memref<10240x64xf32, #tpu.memory_space<hbm>>
      %dma_start3A_276 = arith.constant 0 : i32
      %dma_start3A_277 = tpu.memref_slice %dma_start3A_275[%mul3A_271, %dma_start3A_276] : memref<10240x64xf32, #tpu.memory_space<hbm>> -> memref<640x64xf32, #tpu.memory_space<hbm>>
      %dma_start3A_278 = arith.constant 0 : i32
      %dma_start3A_279 = tpu.memref_slice %arg15[%mul3A_269, %dma_start3A_278] : memref<10240x64xf32, #tpu.memory_space<vmem_shared>> -> memref<640x64xf32, #tpu.memory_space<vmem_shared>>
      tpu.enqueue_dma source(%dma_start3A_279 : memref<640x64xf32, #tpu.memory_space<vmem_shared>>) target(%dma_start3A_277 : memref<640x64xf32, #tpu.memory_space<hbm>>) target_semaphore(%run_scoped3A : memref<!tpu.dma_semaphore, #tpu.memory_space<semaphore_mem>>)
      %dma_wait3A_280 = arith.constant 0 : i32
      %dma_wait3A_281 = arith.constant 0 : i32
      %dma_wait3A_282 = tpu.memref_slice %arg7[%arg0, %dma_wait3A_280, %dma_wait3A_281] : memref<2x10240x64xf32, #tpu.memory_space<hbm>> -> memref<1x10240x64xf32, #tpu.memory_space<hbm>>
      %dma_wait3A_283 = tpu.memref_squeeze %dma_wait3A_282 : memref<1x10240x64xf32, #tpu.memory_space<hbm>> -> memref<10240x64xf32, #tpu.memory_space<hbm>>
      %dma_wait3A_284 = arith.constant 0 : i32
      %dma_wait3A_285 = tpu.memref_slice %dma_wait3A_283[%mul3A_271, %dma_wait3A_284] : memref<10240x64xf32, #tpu.memory_space<hbm>> -> memref<640x64xf32, #tpu.memory_space<hbm>>
      %dma_wait3A_286 = arith.constant 0 : i32
      %dma_wait3A_287 = tpu.memref_slice %arg15[%mul3A_269, %dma_wait3A_286] : memref<10240x64xf32, #tpu.memory_space<vmem_shared>> -> memref<640x64xf32, #tpu.memory_space<vmem_shared>>
      tpu.wait_dma2 semaphore(%run_scoped3A : memref<!tpu.dma_semaphore, #tpu.memory_space<semaphore_mem>>) src(%dma_wait3A_287 : memref<640x64xf32, #tpu.memory_space<vmem_shared>>) dst(%dma_wait3A_285 : memref<640x64xf32, #tpu.memory_space<hbm>>)
      tpu.yield
    }) : () -> ()
    return
  }
}

module attributes {stable_mosaic.version = 14 : i64} {
  func.func @cheb_tc_combine(%arg0: i32, %arg1: memref<1000x128xf32, #tpu.memory_space<vmem>>, %arg2: memref<1000x64xf32, #tpu.memory_space<vmem>>, %arg3: memref<1000x64xf32, #tpu.memory_space<vmem>>, %arg4: memref<1000x64xf32, #tpu.memory_space<vmem>>, %arg5: memref<1000x64xf32, #tpu.memory_space<vmem>>, %arg6: memref<128x128xf32, #tpu.memory_space<vmem>>, %arg7: memref<128x128xf32, #tpu.memory_space<vmem>>, %arg8: memref<128x128xf32, #tpu.memory_space<vmem>>, %arg9: memref<1x128xf32, #tpu.memory_space<vmem>>, %arg10: memref<1000x128xf32, #tpu.memory_space<vmem>>) attributes {dimension_semantics = [#tpu.dimension_semantics<arbitrary>], iteration_bounds = array<i64: 10>, scalar_prefetch = 0 : i64, scratch_operands = 0 : i64, tpu.core_type = #tpu.core_type<tc>, window_params = [{transform_indices = @transform_0, window_bounds = array<i64: 1000, 128>}, {transform_indices = @transform_1, window_bounds = array<i64: 1000, 64>}, {transform_indices = @transform_2, window_bounds = array<i64: 1000, 64>}, {transform_indices = @transform_3, window_bounds = array<i64: 1000, 64>}, {transform_indices = @transform_4, window_bounds = array<i64: 1000, 64>}, {pipeline_mode = #tpu.pipeline_mode<synchronous>, transform_indices = @transform_5, window_bounds = array<i64: 128, 128>}, {pipeline_mode = #tpu.pipeline_mode<synchronous>, transform_indices = @transform_6, window_bounds = array<i64: 128, 128>}, {pipeline_mode = #tpu.pipeline_mode<synchronous>, transform_indices = @transform_7, window_bounds = array<i64: 128, 128>}, {pipeline_mode = #tpu.pipeline_mode<synchronous>, transform_indices = @transform_8, window_bounds = array<i64: 1, 128>}, {transform_indices = @transform_9, window_bounds = array<i64: 1000, 128>}]} {
    %get3A = arith.constant 0 : index
    %get3A_0 = arith.constant 0 : index
    %get3A_1 = vector.load %arg7[%get3A, %get3A_0] : memref<128x128xf32, #tpu.memory_space<vmem>>, vector<128x128xf32>
    %get3A_2 = arith.constant 0 : index
    %get3A_3 = arith.constant 0 : index
    %get3A_4 = vector.load %arg8[%get3A_2, %get3A_3] : memref<128x128xf32, #tpu.memory_space<vmem>>, vector<128x128xf32>
    %get3A_5 = arith.constant 0 : index
    %get3A_6 = arith.constant 0 : index
    %get3A_7 = vector.load %arg1[%get3A_5, %get3A_6] : memref<1000x128xf32, #tpu.memory_space<vmem>>, vector<1000x128xf32>
    %get3A_8 = arith.constant 0 : index
    %get3A_9 = arith.constant 0 : index
    %get3A_10 = vector.load %arg6[%get3A_8, %get3A_9] : memref<128x128xf32, #tpu.memory_space<vmem>>, vector<128x128xf32>
    %sub3A = arith.subf %get3A_10, %get3A_4 : vector<128x128xf32>
    %dot_general3A = arith.constant dense<0.000000e+00> : vector<1000x128xf32>
    %dot_general3A_11 = tpu.matmul %get3A_7, %sub3A, %dot_general3A {dimension_numbers = #tpu.dot_dimension_numbers<[1], [0], [0], [1], [0, 0, 1, 1], [], []>, transpose_lhs_hint = false} : vector<1000x128xf32>, vector<128x128xf32>, vector<1000x128xf32> -> vector<1000x128xf32>
    %get3A_12 = arith.constant 0 : index
    %get3A_13 = arith.constant 0 : index
    %get3A_14 = vector.load %arg2[%get3A_12, %get3A_13] : memref<1000x64xf32, #tpu.memory_space<vmem>>, vector<1000x64xf32>
    %slice3A = vector.extract_strided_slice %get3A_1 {offsets = [0, 0], sizes = [64, 128], strides = [1, 1]} : vector<128x128xf32> to vector<64x128xf32>
    %dot_general3A_15 = arith.constant dense<0.000000e+00> : vector<1000x128xf32>
    %dot_general3A_16 = tpu.matmul %get3A_14, %slice3A, %dot_general3A_15 {dimension_numbers = #tpu.dot_dimension_numbers<[1], [0], [0], [1], [0, 0, 1, 1], [], []>, transpose_lhs_hint = false} : vector<1000x64xf32>, vector<64x128xf32>, vector<1000x128xf32> -> vector<1000x128xf32>
    %add3A = arith.addf %dot_general3A_11, %dot_general3A_16 : vector<1000x128xf32>
    %get3A_17 = arith.constant 0 : index
    %get3A_18 = arith.constant 0 : index
    %get3A_19 = vector.load %arg3[%get3A_17, %get3A_18] : memref<1000x64xf32, #tpu.memory_space<vmem>>, vector<1000x64xf32>
    %slice3A_20 = vector.extract_strided_slice %get3A_1 {offsets = [64, 0], sizes = [64, 128], strides = [1, 1]} : vector<128x128xf32> to vector<64x128xf32>
    %dot_general3A_21 = arith.constant dense<0.000000e+00> : vector<1000x128xf32>
    %dot_general3A_22 = tpu.matmul %get3A_19, %slice3A_20, %dot_general3A_21 {dimension_numbers = #tpu.dot_dimension_numbers<[1], [0], [0], [1], [0, 0, 1, 1], [], []>, transpose_lhs_hint = false} : vector<1000x64xf32>, vector<64x128xf32>, vector<1000x128xf32> -> vector<1000x128xf32>
    %add3A_23 = arith.addf %add3A, %dot_general3A_22 : vector<1000x128xf32>
    %get3A_24 = arith.constant 0 : index
    %get3A_25 = arith.constant 0 : index
    %get3A_26 = vector.load %arg4[%get3A_24, %get3A_25] : memref<1000x64xf32, #tpu.memory_space<vmem>>, vector<1000x64xf32>
    %slice3A_27 = vector.extract_strided_slice %get3A_4 {offsets = [0, 0], sizes = [64, 128], strides = [1, 1]} : vector<128x128xf32> to vector<64x128xf32>
    %dot_general3A_28 = arith.constant dense<0.000000e+00> : vector<1000x128xf32>
    %dot_general3A_29 = tpu.matmul %get3A_26, %slice3A_27, %dot_general3A_28 {dimension_numbers = #tpu.dot_dimension_numbers<[1], [0], [0], [1], [0, 0, 1, 1], [], []>, transpose_lhs_hint = false} : vector<1000x64xf32>, vector<64x128xf32>, vector<1000x128xf32> -> vector<1000x128xf32>
    %mul3A = arith.constant 2.000000e+00 : f32
    %mul3A_30 = vector.broadcast %mul3A : f32 to vector<1000x128xf32>
    %mul3A_31 = arith.mulf %mul3A_30, %dot_general3A_29 : vector<1000x128xf32>
    %add3A_32 = arith.addf %add3A_23, %mul3A_31 : vector<1000x128xf32>
    %get3A_33 = arith.constant 0 : index
    %get3A_34 = arith.constant 0 : index
    %get3A_35 = vector.load %arg5[%get3A_33, %get3A_34] : memref<1000x64xf32, #tpu.memory_space<vmem>>, vector<1000x64xf32>
    %slice3A_36 = vector.extract_strided_slice %get3A_4 {offsets = [64, 0], sizes = [64, 128], strides = [1, 1]} : vector<128x128xf32> to vector<64x128xf32>
    %dot_general3A_37 = arith.constant dense<0.000000e+00> : vector<1000x128xf32>
    %dot_general3A_38 = tpu.matmul %get3A_35, %slice3A_36, %dot_general3A_37 {dimension_numbers = #tpu.dot_dimension_numbers<[1], [0], [0], [1], [0, 0, 1, 1], [], []>, transpose_lhs_hint = false} : vector<1000x64xf32>, vector<64x128xf32>, vector<1000x128xf32> -> vector<1000x128xf32>
    %mul3A_39 = arith.constant 2.000000e+00 : f32
    %mul3A_40 = vector.broadcast %mul3A_39 : f32 to vector<1000x128xf32>
    %mul3A_41 = arith.mulf %mul3A_40, %dot_general3A_38 : vector<1000x128xf32>
    %add3A_42 = arith.addf %add3A_32, %mul3A_41 : vector<1000x128xf32>
    %get3A_43 = arith.constant 0 : index
    %get3A_44 = arith.constant 0 : index
    %get3A_45 = vector.load %arg9[%get3A_43, %get3A_44] : memref<1x128xf32, #tpu.memory_space<vmem>>, vector<1x128xf32>
    %add3A_46 = vector.broadcast %get3A_45 : vector<1x128xf32> to vector<1000x128xf32>
    %add3A_47 = arith.addf %add3A_42, %add3A_46 : vector<1000x128xf32>
    %swap3A = arith.constant 0 : index
    %swap3A_48 = arith.constant 0 : index
    %swap3A_49 = vector.load %arg10[%swap3A, %swap3A_48] : memref<1000x128xf32, #tpu.memory_space<vmem>>, vector<1000x128xf32>
    tpu.vector_store %arg10[%swap3A, %swap3A_48], %add3A_47 {strides = array<i32>} : memref<1000x128xf32, #tpu.memory_space<vmem>>, vector<1000x128xf32>,
    return
  }
  func.func @transform_0(%arg0: i32) -> (i32, i32) {
    %c0_i32 = arith.constant 0 : i32
    %c0_i32_0 = arith.constant 0 : i32
    return %arg0, %c0_i32 : i32, i32
  }
  func.func @transform_1(%arg0: i32) -> (i32, i32) {
    %c0_i32 = arith.constant 0 : i32
    %c0_i32_0 = arith.constant 0 : i32
    return %arg0, %c0_i32 : i32, i32
  }
  func.func @transform_2(%arg0: i32) -> (i32, i32) {
    %c0_i32 = arith.constant 0 : i32
    %c0_i32_0 = arith.constant 0 : i32
    return %arg0, %c0_i32 : i32, i32
  }
  func.func @transform_3(%arg0: i32) -> (i32, i32) {
    %c0_i32 = arith.constant 0 : i32
    %c0_i32_0 = arith.constant 0 : i32
    return %arg0, %c0_i32 : i32, i32
  }
  func.func @transform_4(%arg0: i32) -> (i32, i32) {
    %c0_i32 = arith.constant 0 : i32
    %c0_i32_0 = arith.constant 0 : i32
    return %arg0, %c0_i32 : i32, i32
  }
  func.func @transform_5(%arg0: i32) -> (i32, i32) {
    %c0_i32 = arith.constant 0 : i32
    %c0_i32_0 = arith.constant 0 : i32
    %c0_i32_1 = arith.constant 0 : i32
    return %c0_i32, %c0_i32_0 : i32, i32
  }
  func.func @transform_6(%arg0: i32) -> (i32, i32) {
    %c0_i32 = arith.constant 0 : i32
    %c0_i32_0 = arith.constant 0 : i32
    %c0_i32_1 = arith.constant 0 : i32
    return %c0_i32, %c0_i32_0 : i32, i32
  }
  func.func @transform_7(%arg0: i32) -> (i32, i32) {
    %c0_i32 = arith.constant 0 : i32
    %c0_i32_0 = arith.constant 0 : i32
    %c0_i32_1 = arith.constant 0 : i32
    return %c0_i32, %c0_i32_0 : i32, i32
  }
  func.func @transform_8(%arg0: i32) -> (i32, i32) {
    %c0_i32 = arith.constant 0 : i32
    %c0_i32_0 = arith.constant 0 : i32
    %c0_i32_1 = arith.constant 0 : i32
    return %c0_i32, %c0_i32_0 : i32, i32
  }
  func.func @transform_9(%arg0: i32) -> (i32, i32) {
    %c0_i32 = arith.constant 0 : i32
    %c0_i32_0 = arith.constant 0 : i32
    return %arg0, %c0_i32 : i32, i32
  }
}

</mosaic_0001>

<sc_bundles>
// kernel: spmm_halves_sc.3.cloned.1.call-start
scs
__scs_entry_jumppad:
0x0: {  	(pc) =	sbr.rel $0x88, $3  }
0x1: {  	(tag) =	ssettag $0x0;
	lr =	simm.s32 $0x1  }
0x2: {  	[smem:$0x3F9C] =	sst lr;
	_ =	strace $0xD0000000  }
0x3: {  	_ = 	snop  }
0x4: {  	_ = 	snop  }
0x5: {  	_ = 	snop  }
0x6: {  	_ = 	snop  }
0x7: {  	_ = 	snop  }
__scs_overlays_trampoline_lowered:
0x8: {  	[smem:$0x3FAB] =	sst s0  }
0x9: {  	[smem:$0x3FAC] =	sst s1  }
0xa: {  	[smem:$0x3FAD] =	sst s2  }
0xb: {  	[smem:$0x3FAE] =	sst s3  }
0xc: {  	[smem:$0x3FAF] =	sst s4  }
0xd: {  	[smem:$0x3FB0] =	sst s5  }
0xe: {  	[smem:$0x3FB1] =	sst s6  }
0xf: {  	[smem:$0x3FB2] =	sst s7  }
0x10: {  	[smem:$0x3FB3] =	sst s8  }
0x11: {  	[smem:$0x3FB4] =	sst s9;
	s0 =	simm.s32 @!p0 $0x0  }
0x12: {  	s1 =	sld [smem:$0x3F9A];
	s0 =	simm.s32 @p0 $0x1  }
0x13: {  	[smem:$0x3FB5] =	sst s0;
	s0 =	simm.s32 @!p1 $0x0  }
0x14: {  	s2 =	sld [smem:$0x3F99];
	s0 =	simm.s32 @p1 $0x1  }
0x15: {  	[smem:$0x3FB6] =	sst s0;
	s0 =	simm.s32 @!p2 $0x0  }
0x16: {  	s3 =	sld [smem:$0x3FDB];
	s0 =	simm.s32 @p2 $0x1  }
0x17: {  	s4 =	simm.s32 $0x1BF5;
	[smem:$0x3FB8] =	sst s0  }
0x18: {  	s0 =	sld [smem:$0x3F9B];
	_ =	swait.ge [sflag:s4], $0x0  }
0x19: {  	s7 =	sld [smem:$0x3F9C]  }
0x1a: {  	s8 =	sadd.s32 $0xFFFFE003, lr  }
0x1b: {  	s9 =	sadd.s32 $0xFFFFFEF7, lr;
	s5 =	simm.s32 $0xFFFFFFFF;
	p2 =	slt.u32 s8, $0xFFFFF086  }
0x1c: {  	p1 =	slt.u32 s9, $0xF7A;
	s5 =	simm.s32 @!p2 $0x0  }
0x1d: {  	s5 =	simm.s32 @p1 $0x1;
	p0 =	seq.s32 s7, s2  }
0x1e: {  	s7 =	smul.u32 @!p0 $0xF7A, s2;
	p2 =	seq.s32 @!p0 s5, $0x0  }
0x1f: {  	s9 =	smul.u32 $0xF7A, s1;
	s8 =	simm.s32 @!p0 $0x1BF5;
	p2 =	por !p2, p0  }
0x20: {  	[sflag:s8] =	ssyncset.s32 @!p0 $0xFFFFF086;
	s6 =	sadd.s32 @!p0 s3, s7;
	s7 =	simm.s32 @!p0 $0x108  }
0x21: {  	s3 =	sadd.s32 s3, s9;
	s6 =	sadd.s32 @!p0 $0x88, s6;
	s7 =	simm.s32 @p2 $0x1082  }
0x22: {  	[simem:s7], [sflag:s8] =	dma.local @!p0 [hbm:s6], $0xF7A  }
0x23: {  	s9 =	sor.u32 $0xD0000000, s2;
	s6 =	simm.s32 $0x108;
	_ =	swait.ge @!p0 [sflag:s8], $0x0  }
0x24: {  	s3 =	sadd.s32 $0x88, s3;
	s6 =	simm.s32 @!p1 $0x1082;
	[sflag:s4] =	ssyncset.s32 $0xFFFFF086  }
0x25: {  	[simem:s6], [sflag:s4] =	dma.local [hbm:s3], $0xF7A  }
0x26: {  	[smem:$0x3F9C] =	sst s1;
	(tag) =	ssettag s2;
	_ =	strace s9  }
0x27: {  	s1 =	sld [smem:$0x3FAC]  }
0x28: {  	s2 =	sld [smem:$0x3FAD]  }
0x29: {  	s4 =	sld [smem:$0x3FAF]  }
0x2a: {  	p0 =	seq.s32 s5, $0x0;
	s5 =	sld [smem:$0x3FB0]  }
0x2b: {  	s6 =	sld [smem:$0x3FB1]  }
0x2c: {  	s7 =	sld [smem:$0x3FB2]  }
0x2d: {  	s3 =	simm.s32 $0x108;
	s8 =	sld [smem:$0x3FB3]  }
0x2e: {  	s3 =	simm.s32 @!p0 $0x1082;
	s9 =	sld [smem:$0x3FB4]  }
0x2f: {  	lr =	sadd.s32 s0, s3;
	s0 =	sld [smem:$0x3FAB]  }
0x30: {  	s3 =	sld [smem:$0x3FAE]  }
0x31: {  	[smem:$0x3FB7] =	sst s10  }
0x32: {  	s10 =	sld [smem:$0x3FB5];
	_ =	sdelay $0x3  }
0x33: {  	p0 =	seq.s32 s10, $0x1;
	s10 =	sld [smem:$0x3FB7];
	_ =	sdelay $0x3  }
0x34: {  	[smem:$0x3FB7] =	sst s10  }
0x35: {  	s10 =	sld [smem:$0x3FB6];
	_ =	sdelay $0x3  }
0x36: {  	p1 =	seq.s32 s10, $0x1;
	s10 =	sld [smem:$0x3FB7];
	_ =	sdelay $0x3  }
0x37: {  	[smem:$0x3FB7] =	sst s10  }
0x38: {  	s10 =	sld [smem:$0x3FB8]  }
0x39: {  	_ = 	snop;
	(pc) =	sbr.ind lr, $3  }
0x3a: {  	_ = 	snop  }
0x3b: {  	_ = 	snop  }
0x3c: {  	p2 =	seq.s32 s10, $0x1;
	s10 =	sld [smem:$0x3FB7]  }
0x3d: {  	_ =	shalt  }
0x3e: {  	_ =	shalt  }
0x3f: {  	_ =	shalt  }
0x40: {  	_ =	shalt  }
0x41: {  	_ =	shalt  }
0x42: {  	_ =	shalt  }
0x43: {  	_ =	shalt  }
0x44: {  	_ =	shalt  }
0x45: {  	_ =	shalt  }
0x46: {  	_ =	shalt  }
0x47: {  	_ =	shalt  }
0x48: {  	_ =	shalt  }
0x49: {  	_ =	shalt  }
0x4a: {  	_ =	shalt  }
0x4b: {  	_ =	shalt  }
0x4c: {  	_ =	shalt  }
0x4d: {  	_ =	shalt  }
0x4e: {  	_ =	shalt  }
0x4f: {  	_ =	shalt  }
0x50: {  	_ =	shalt  }
0x51: {  	_ =	shalt  }
0x52: {  	_ =	shalt  }
0x53: {  	_ =	shalt  }
0x54: {  	_ =	shalt  }
0x55: {  	_ =	shalt  }
0x56: {  	_ =	shalt  }
0x57: {  	_ =	shalt  }
0x58: {  	_ =	shalt  }
0x59: {  	_ =	shalt  }
0x5a: {  	_ =	shalt  }
0x5b: {  	_ =	shalt  }
0x5c: {  	_ =	shalt  }
0x5d: {  	_ =	shalt  }
0x5e: {  	_ =	shalt  }
0x5f: {  	_ =	shalt  }
0x60: {  	_ =	shalt  }
0x61: {  	_ =	shalt  }
0x62: {  	_ =	shalt  }
0x63: {  	_ =	shalt  }
0x64: {  	_ =	shalt  }
0x65: {  	_ =	shalt  }
0x66: {  	_ =	shalt  }
0x67: {  	_ =	shalt  }
0x68: {  	_ =	shalt  }
0x69: {  	_ =	shalt  }
0x6a: {  	_ =	shalt  }
0x6b: {  	_ =	shalt  }
0x6c: {  	_ =	shalt  }
0x6d: {  	_ =	shalt  }
0x6e: {  	_ =	shalt  }
0x6f: {  	_ =	shalt  }
0x70: {  	_ =	shalt  }
0x71: {  	_ =	shalt  }
0x72: {  	_ =	shalt  }
0x73: {  	_ =	shalt  }
0x74: {  	_ =	shalt  }
0x75: {  	_ =	shalt  }
0x76: {  	_ =	shalt  }
0x77: {  	_ =	shalt  }
0x78: {  	_ =	shalt  }
0x79: {  	_ =	shalt  }
0x7a: {  	_ =	shalt  }
0x7b: {  	_ =	shalt  }
0x7c: {  	_ =	shalt  }
0x7d: {  	_ =	shalt  }
0x7e: {  	_ =	shalt  }
0x7f: {  	_ =	shalt  }
0x80: {  	_ =	shalt  }
0x81: {  	_ =	shalt  }
0x82: {  	_ =	shalt  }
0x83: {  	_ =	shalt  }
0x84: {  	_ =	shalt  }
0x85: {  	_ =	shalt  }
0x86: {  	_ =	shalt  }
0x87: {  	_ =	shalt  }
.Lfunc_end0:
.L_simem_size_0:
called_computation_lowered:
.L_overlay_start_0:
0x88: {  	s2 =	sld [smem:$0x3FD9]  }
0x89: {  	s3 =	sld [smem:$0x3FFE];
	_ =	sdelay $0x1  }
0x8a: {  	s1 =	srdreg.scid  }
0x8b: {  	s0 =	sand.u32 $0x1, s1  }
0x8c: {  	s17 =	sshll.u32 s0, $0xA;
	s2 =	sadd.s32 s3, s2  }
0x8d: {  	s2 =	sadd.s32 s2, s17  }
0x8e: {  	[smem:$0x3FC3] =	sst s2  }
0x8f: {  	_ = 	snop  }
0x90: {  	s2 =	sld [smem:$0x3FD0];
	(tm) =	ssettm $0x1  }
0x91: {  	s18 =	sld [smem:$0x3FFB];
	_ =	sdelay $0x3  }
0x92: {  	_ =	strace s18  }
0x93: {  	s3 =	sld [smem:$0x3FFC];
	_ =	sdelay $0x3  }
0x94: {  	_ =	strace s3  }
0x95: {  	s3 =	sld [smem:$0x3FFD];
	_ =	sdelay $0x3  }
0x96: {  	_ =	strace s3  }
0x97: {  	_ =	strace $0x8FFFFFFF  }
0x98: {  	s19 =	sld [smem:$0x3FDB];
	_ =	sdelay $0x1  }
0x99: {  	s4 =	simm.s32 $_scs_section_size  }
0x9a: {  	s5 =	simm.s32 $_size__tile_overlayer_lowered;
	s6 =	simm.s32 $_tile_overlayer_lowered  }
0x9b: {  	s22 =	simm.s32 $0x1BFF;
	s21 =	sshll.u32 s6, $0x1;
	s3 =	sadd.s32 s4, s19  }
0x9c: {  	s7 =	simm.s32 $0x0;
	s20 =	sshll.u32 s5, $0x1;
	s5 =	sadd.s32 s21, s3  }
0x9d: {  	[timem:s7], [sflag:s22] =	dma.local [hbm:s5], s20  }
0x9e: {  	_ =	swait.ge [sflag:s22], s20  }
0x9f: {  	s4 =	ssub.s32 $0x0, s20;
	[sflag:s22] =	ssyncset.done $0x0  }
0xa0: {  	[sflag:s22] =	ssyncadd.s32 s4;
	_ =	sdelay $0x1  }
0xa1: {  	s23 =	simm.s32 $0x1B8B  }
0xa2: {  	_ =	swait.ge [sflag:s23], $0x1  }
0xa3: {  	[sflag:s23] =	ssyncset.done $0x0  }
0xa4: {  	s25 =	simm.s32 $0x1B8E;
	s24 =	sld [smem:$0x3FFE];
	[sflag:s23] =	ssyncadd.s32 $0xFFFFFFFF  }
0xa5: {  	s26 =	simm.s32 $execute0_lowered;
	[smem:$0x3FD2] =	sst s25  }
0xa6: {  	s5 =	sshll.u32 s26, $0x1;
	_ =	strace $0x80000046;
	[dreg:$0x1] =	wrdreg $0xFFFFFFFF  }
0xa7: {  	s28 =	simm.s32 $_size_execute0_lowered;
	s3 =	sadd.s32 s3, s5;
	[dreg:$0x0] =	wrdreg $0x0  }
0xa8: {  	s5 =	sshll.u32 s28, $0x1;
	[dreg:$0x2] =	wrdreg s3  }
0xa9: {  	[dreg:$0x3] =	wrdreg s5  }
0xaa: {  	[dreg:$0x4] =	wrdreg $0xC0  }
0xab: {  	_ =	task [dreg:s7], $0x5FFFF  }
0xac: {  	[dreg:$0x1] =	wrdreg $0xFFFFFFFF  }
0xad: {  	[dreg:$0x0] =	wrdreg $0x60  }
0xae: {  	[dreg:$0x2] =	wrdreg s2  }
0xaf: {  	[dreg:$0x3] =	wrdreg s24  }
0xb0: {  	[dreg:$0x4] =	wrdreg $0x10E000  }
0xb1: {  	[dreg:$0x5] =	wrdreg $0x9  }
0xb2: {  	_ =	task.clear_ibuf [dreg:s7], $0x6FFFF;
	_ =	strace $0x90000046  }
0xb3: {  	s29 =	simm.s32 $0x9;
	_ =	strace $0x80000048  }
0xb4: {  	_ =	swait.ge [sflag:s29], $0x1  }
0xb5: {  	[sflag:s29] =	ssyncadd.s32 $0xFFFFFFFF  }
0xb6: {  	_ =	strace $0x90000048  }
0xb7: {  	_ =	sfence  }
0xb8: {  	s30 =	sld [smem:$0x0];
	_ =	sdelay $0x2  }
0xb9: {  	s31 =	sshll.u32 s1, $0xD;
	s1 =	sshrl.u32 s1, $0x2  }
0xba: {  	s3 =	sand.u32 $0x4000, s31;
	s1 =	sadd.s32 s1, s30  }
0xbb: {  	s0 =	sor.u32 s3, s0;
	s1 =	sshll.u32 s1, $0x11  }
0xbc: {  	s0 =	sor.u32 s1, s0  }
0xbd: {  	s0 =	sadd.s32 $0x8F2B, s0  }
0xbe: {  	[sflag:s0] =	ssyncadd.remote.s32 $0x1  }
0xbf: {  	_ =	sfence.sel $0xFFFF  }
0xc0: {  	[dreg:$0x0] =	wrdreg $0xFFFFFFFF;
	(pc) =	sbr.abs _section_cstart, $3  }
0xc1: {  	[dreg:$0x1] =	wrdreg $0xFFFFFFFF  }
0xc2: {  	_ =	task.clear_ibuf [dreg:s7], $0x2FFFF;
	_ =	strace $0x9FFFFFFF  }
0xc3: {  	(tm) =	ssettm $0x7FFFFFFF  }
tec
execute0_lowered:
.L_overlay_start_1:
0x0: {  	(tag) =	ssettag $0x1  }
0x1: {  	s0 =	rddreg [dreg:$0x0]  }
0x2: {  	s1 =	rddreg [dreg:$0x1]  }
0x3: {  	s2 =	rddreg [dreg:$0x2];
	s10 =	stileid.u32;
	s3 =	simm.s32 $0x0  }
0x4: {  	s5 =	srdreg.scid;
	s16 =	simm.s32 $0x3;
	s18 =	simm.s32 $0xEE00  }
0x5: {  	s19 =	simm.s32 $0x80;
	s20 =	simm.s32 $0x9E00;
	s4 =	smul.u32 $0x9E0, s10  }
0x6: {  	s21 =	simm.s32 $0xDE00;
	s22 =	simm.s32 $0xBE00;
	s6 =	smul.u32 $0x9E00, s10  }
0x7: {  	s23 =	simm.s32 $0xE600;
	s28 =	simm.s32 $0x0;
	s9 =	smul.u32 $0x28000, s10  }
0x8: {  	[smem:$0x7FF] =	sst s3;
	s5 =	sand.u32 $0x1, s5;
	s14 =	smul.u32 $0xA000, s10  }
0x9: {  	_ =	strace $0x80000047;
	s7 =	smul.u32 $0x14000, s5;
	s8 =	ssub.s32 $0x2, s5  }
0xa: {  	s5 =	smul.u32 $0x13880, s5;
	s4 =	sadd.s32 s4, s1;
	s12 =	sadd.s32 s6, s1  }
0xb: {  	s24 =	sshrl.u32 s8, $0x1;
	s25 =	sshrl.u32 s9, $0x2;
	s6 =	sadd.s32 s14, s2  }
0xc: {  	s14 =	sshrl.u32 s14, $0x3;
	s1 =	sadd.s32 s7, s1;
	s15 =	ssub.s32 s8, s24  }
0xd: {  	s26 =	sadd.s32 $0xB600, s4;
	s4 =	sadd.s32 $0x1800, s4;
	s29 =	sadd.s32 s25, s2  }
0xe: {  	s11 =	sadd.s32 s0, s5;
	s12 =	sadd.s32 $0x15400, s12;
	[dreg:$0x4] =	wrdreg s26  }
0xf: {  	s24 =	simm.s32 $0x1;
	[dreg:$0x5] =	wrdreg s4;
	s7 =	sadd.s32 $0x2000, s29  }
0x10: {  	s8 =	sadd.s32 $0x4000, s29;
	s9 =	sadd.s32 $0x6000, s29;
	s10 =	sadd.s32 $0x8000, s29  }
0x11: {  	s13 =	sadd.s32 $0xDB400, s1;
	s30 =	sadd.s32 $0xB3400, s1;
	s31 =	smax.u32 s15, $0x1  }
0x12: {  	v0 =	vimm.f32 $0.0e+00;
	s26 =	simm.s32 $0x2;
	[dreg:$0x6] =	wrdreg s31;
	s25 =	sadd.s32 s14, s30  }
.LBB2_1:
0x13: {  	s0 =	rddreg [dreg:$0x4]  }
0x14: {  	[tilespmem:s3], [sflag:$0x3] =	stream.linear.gather [hbm4b:s0+s3], $0x4F00, $0x38;
	[tilespmem:$0x1AE00] =	vst v63  }
0x15: {  	_ =	swait.ge [sflag:s16], $0x4F00  }
0x16: {  	[sflag:s16] =	ssyncset.done $0x0  }
0x17: {  	s1 =	simm.s32 $0x4F00;
	s31 =	rddreg [dreg:$0x5];
	[sflag:s16] =	ssyncadd.s32 $0xFFFFB100  }
0x18: {  	[tilespmem:s1], [sflag:$0x3] =	stream.linear.gather [hbm4b:s31+s3], $0x4F00, $0x38;
	[tilespmem:$0x1AE00] =	vst v63  }
0x19: {  	_ =	swait.ge [sflag:s16], $0x4F00  }
0x1a: {  	[sflag:s16] =	ssyncset.done $0x0  }
0x1b: {  	s0 =	simm.s32 $0x0;
	s1 =	simm.s32 $0x100;
	[sflag:s16] =	ssyncadd.s32 $0xFFFFB100  }
.LBB2_2:
0x1c: {  	p0 =	sne.s32 s1, $0x7F00;
	[tilespmem:s0+$0xEE30] =	vst v0;
	s4 =	smov.u32 s1;
	s1 =	sadd.s32 $0x100, s1  }
.Ltmp0:
0x1d: {  	[tilespmem:s0+$0xEE20] =	vst v0;
	(pc) =	sbr.rel @p0 .LBB2_2-.Ltmp0, $3  }
0x1e: {  	[tilespmem:s0+$0xEE00] =	vst v0  }
0x1f: {  	[tilespmem:s0+$0xEE10] =	vst v0;
	_ =	sdelay $0x1  }
0x20: {  	s0 =	sshra.s32 s4, $0x2  }
0x21: {  	[tilespmem:s0+$0xEE30] =	vst v0  }
0x22: {  	[tilespmem:s0+$0xEE20] =	vst v0  }
0x23: {  	[tilespmem:s0+$0xEE00] =	vst v0  }
0x24: {  	[tilespmem:s0+$0xEE10] =	vst v0  }
0x25: {  	[spmem:s6] =	stream.linear.scatter [tilespmem:s18], [sflag:$0x3], $0x2000, $0x38;
	[tilespmem:$0x1AE00] =	vst v63  }
0x26: {  	_ =	swait.ge [sflag:s16], $0x2000  }
0x27: {  	[sflag:s16] =	ssyncset.done $0x0  }
0x28: {  	[sflag:s16] =	ssyncadd.s32 $0xFFFFE000  }
0x29: {  	[spmem:s7] =	stream.linear.scatter [tilespmem:s18], [sflag:$0x3], $0x2000, $0x38;
	[tilespmem:$0x1AE00] =	vst v63  }
0x2a: {  	_ =	swait.ge [sflag:s16], $0x2000  }
0x2b: {  	[sflag:s16] =	ssyncset.done $0x0  }
0x2c: {  	[sflag:s16] =	ssyncadd.s32 $0xFFFFE000  }
0x2d: {  	[spmem:s8] =	stream.linear.scatter [tilespmem:s18], [sflag:$0x3], $0x2000, $0x38;
	[tilespmem:$0x1AE00] =	vst v63  }
0x2e: {  	_ =	swait.ge [sflag:s16], $0x2000  }
0x2f: {  	[sflag:s16] =	ssyncset.done $0x0  }
0x30: {  	[sflag:s16] =	ssyncadd.s32 $0xFFFFE000  }
0x31: {  	[spmem:s9] =	stream.linear.scatter [tilespmem:s18], [sflag:$0x3], $0x2000, $0x38;
	[tilespmem:$0x1AE00] =	vst v63  }
0x32: {  	_ =	swait.ge [sflag:s16], $0x2000  }
0x33: {  	[sflag:s16] =	ssyncset.done $0x0  }
0x34: {  	[sflag:s16] =	ssyncadd.s32 $0xFFFFE000  }
0x35: {  	[spmem:s10] =	stream.linear.scatter [tilespmem:s18], [sflag:$0x3], $0x2000, $0x38;
	[tilespmem:$0x1AE00] =	vst v63  }
0x36: {  	_ =	swait.ge [sflag:s16], $0x2000  }
0x37: {  	[sflag:s16] =	ssyncset.done $0x0  }
0x38: {  	[sflag:s16] =	ssyncadd.s32 $0xFFFFE000  }
0x39: {  	s30 =	simm.s32 $0x0;
	[bflag:$0x0] =	sbarrier.arrive $0xFFFF  }
0x3a: {  	[tilespmem:s20], [sflag:$0x1] =	stream.indirect.gather [hbm4b:s11+s19], $0x40, s30, s19, $0xb8;
	[tilespmem:$0x1AE00] =	vst v63  }
0x3b: {  	_ = 	snop  }
0x3c: {  	[tilespmem:s21], [sflag:$0x1] =	stream.linear.gather [hbm4b:s12+s30], $0x800, $0x38;
	[tilespmem:$0x1AE00] =	vst v63  }
0x3d: {  	_ = 	snop  }
0x3e: {  	[tilespmem:s22], [sflag:$0x2] =	stream.indirect.gather [hbm4b:s11+s19], $0x40, s19, s19, $0xb8;
	[tilespmem:$0x1AE00] =	vst v63  }
0x3f: {  	s29 =	sadd.s32 $0x100, s12  }
0x40: {  	[tilespmem:s23], [sflag:$0x2] =	stream.linear.gather [hbm4b:s29+s30], $0x800, $0x38;
	[tilespmem:$0x1AE00] =	vst v63  }
.LBB2_4:
0x41: {  	_ =	swait.ge [sflag:s24], $0x2000  }
0x42: {  	[sflag:s24] =	ssyncset.done $0x0  }
0x43: {  	[sflag:s24] =	ssyncadd.s32 $0xFFFFE000  }
0x44: {  	_ =	swait.ge [sflag:s24], $0x800  }
0x45: {  	[sflag:s24] =	ssyncset.done $0x0  }
0x46: {  	s1 =	simm.s32 $0xDE40;
	[sflag:s24] =	ssyncadd.s32 $0xFFFFF800  }
0x47: {  	s17 =	simm.s32 $0x9F00;
	v2 =	vld [tilespmem:s1+$0x30]  }
0x48: {  	v6 =	vld [tilespmem:s17+$0xF0]  }
0x49: {  	v3 =	vld [tilespmem:s17+$0xFFFFFF00]  }
0x4a: {  	v4 =	vld [tilespmem:s17+$0xFFFFFF10]  }
0x4b: {  	v5 =	vld [tilespmem:s17+$0xFFFFFF20]  }
0x4c: {  	v1 =	vld [tilespmem:s17+$0xFFFFFF30]  }
0x4d: {  	v7 =	vld [tilespmem:s1+$0xFFFFFFD0]  }
0x4e: {  	v8 =	vld [tilespmem:s17+$0xFFFFFF40]  }
0x4f: {  	v9 =	vld [tilespmem:s17+$0xFFFFFF50]  }
0x50: {  	v10 =	vld [tilespmem:s17+$0xFFFFFF60]  }
0x51: {  	v11 =	vld [tilespmem:s17+$0xFFFFFF70]  }
0x52: {  	v12 =	vld [tilespmem:s1+$0xFFFFFFE0]  }
0x53: {  	v13 =	vld [tilespmem:s17+$0xFFFFFF80]  }
0x54: {  	v14 =	vld [tilespmem:s17+$0xFFFFFF90]  }
0x55: {  	v15 =	vld [tilespmem:s17+$0xFFFFFFA0]  }
0x56: {  	v16 =	vld [tilespmem:s17+$0xFFFFFFB0]  }
0x57: {  	v17 =	vld [tilespmem:s1+$0xFFFFFFF0];
	v6 =	vmul.f32 v6, v2  }
0x58: {  	v18 =	vld [tilespmem:s17+$0xFFFFFFC0];
	v8 =	vmul.f32 v8, v7  }
0x59: {  	v63 =	vld [tilespmem:s17+$0x70];
	[tilespmem:s17+$0xF0] =	vst v6;
	v6 =	vmul.f32 v9, v7  }
0x5a: {  	v9 =	vld [tilespmem:s17+$0xFFFFFFD0];
	[tilespmem:s17+$0xFFFFFF40] =	vst v8;
	v8 =	vmul.f32 v10, v7  }
0x5b: {  	v10 =	vld [tilespmem:s17+$0xFFFFFFE0];
	[tilespmem:s17+$0xFFFFFF50] =	vst v6;
	v6 =	vmul.f32 v11, v7  }
0x5c: {  	v7 =	vld [tilespmem:s17+$0xFFFFFFF0];
	[tilespmem:s17+$0xFFFFFF60] =	vst v8;
	v8 =	vmul.f32 v13, v12  }
0x5d: {  	v11 =	vld [tilespmem:s1+$0x0];
	[tilespmem:s17+$0xFFFFFF70] =	vst v6;
	v6 =	vmul.f32 v14, v12  }
0x5e: {  	v13 =	vld [tilespmem:s17+$0x0];
	[tilespmem:s17+$0xFFFFFF80] =	vst v8;
	v8 =	vmul.f32 v15, v12  }
0x5f: {  	v14 =	vld [tilespmem:s17+$0x10];
	[tilespmem:s17+$0xFFFFFF90] =	vst v6;
	v6 =	vmul.f32 v16, v12  }
0x60: {  	v15 =	vld [tilespmem:s17+$0x30];
	[tilespmem:s17+$0xFFFFFFA0] =	vst v8;
	v8 =	vmul.f32 v18, v17  }
0x61: {  	v12 =	vld [tilespmem:s17+$0x20];
	[tilespmem:s17+$0xFFFFFFB0] =	vst v6;
	v6 =	vmul.f32 v9, v17  }
0x62: {  	v9 =	vld [tilespmem:s1+$0x10];
	[tilespmem:s17+$0xFFFFFFC0] =	vst v8;
	v8 =	vmul.f32 v10, v17  }
0x63: {  	v10 =	vld [tilespmem:s17+$0x40];
	[tilespmem:s17+$0xFFFFFFD0] =	vst v6;
	v6 =	vmul.f32 v7, v17  }
0x64: {  	v7 =	vld [tilespmem:s17+$0x50];
	[tilespmem:s17+$0xFFFFFFE0] =	vst v8;
	v8 =	vmul.f32 v13, v11  }
0x65: {  	v14 =	vmul.f32 v14, v11;
	v13 =	vld [tilespmem:s17+$0x60];
	[tilespmem:s17+$0xFFFFFFF0] =	vst v6  }
0x66: {  	[tilespmem:s17+$0x0] =	vst v8;
	v8 =	vmul.f32 v12, v11;
	v6 =	vld [tilespmem:s1+$0x20]  }
0x67: {  	[tilespmem:s17+$0x10] =	vst v14;
	v11 =	vmul.f32 v15, v11;
	v12 =	vld [tilespmem:s17+$0x80]  }
0x68: {  	v14 =	vld [tilespmem:s17+$0x90];
	[tilespmem:s17+$0x20] =	vst v8;
	v8 =	vmul.f32 v10, v9  }
0x69: {  	v15 =	vld [tilespmem:s17+$0xA0];
	[tilespmem:s17+$0x30] =	vst v11;
	v7 =	vmul.f32 v7, v9  }
0x6a: {  	v11 =	vld [tilespmem:s17+$0xB0];
	[tilespmem:s17+$0x40] =	vst v8;
	v8 =	vmul.f32 v13, v9  }
0x6b: {  	[tilespmem:s17+$0x50] =	vst v7;
	v7 =	vmul.f32 v63, v9;
	v9 =	vld [tilespmem:s17+$0xC0]  }
0x6c: {  	v10 =	vld [tilespmem:s17+$0xD0];
	v13 =	vmul.f32 v12, v6;
	[tilespmem:s17+$0x60] =	vst v8  }
0x6d: {  	v12 =	vmul.f32 v14, v6;
	v8 =	vld [tilespmem:s17+$0xE0];
	[tilespmem:s17+$0x70] =	vst v7  }
0x6e: {  	s0 =	simm.s32 $0x0;
	s4 =	simm.s32 $0x9F00;
	v7 =	vld [tilespmem:s1+$0xFFFFFFC0];
	[tilespmem:s17+$0x80] =	vst v13;
	v13 =	vmul.f32 v15, v6;
	s1 =	simm.s32 $0xDEC0  }
.LBB2_5:
0x6f: {  	v14 =	vld [tilespmem:s1+$0x30];
	[tilespmem:s17+$0x90] =	vst v12;
	v6 =	vmul.f32 v11, v6;
	s4 =	sadd.s32 $0x200, s4  }
0x70: {  	s0 =	sadd.s32 $0x8, s0;
	v11 =	vld [tilespmem:s4+$0xF0];
	[tilespmem:s17+$0xA0] =	vst v13;
	v9 =	vmul.f32 v9, v2  }
0x71: {  	p0 =	slt.u32 s0, $0x78;
	v12 =	vld [tilespmem:s4+$0xFFFFFF00];
	[tilespmem:s17+$0xB0] =	vst v6;
	v6 =	vmul.f32 v10, v2  }
0x72: {  	v10 =	vld [tilespmem:s4+$0xFFFFFF10];
	[tilespmem:s17+$0xC0] =	vst v9;
	v9 =	vmul.f32 v8, v2  }
0x73: {  	v8 =	vld [tilespmem:s4+$0xFFFFFF20];
	v13 =	vmul.f32 v3, v7;
	v4 =	vmul.f32 v4, v7;
	[tilespmem:s17+$0xD0] =	vst v6  }
0x74: {  	v5 =	vmul.f32 v5, v7;
	v6 =	vmul.f32 v1, v7;
	v1 =	vld [tilespmem:s4+$0xFFFFFF30];
	[tilespmem:s17+$0xE0] =	vst v9;
	v2 =	vmov v14  }
0x75: {  	v7 =	vld [tilespmem:s1+$0xFFFFFFD0];
	v9 =	vmul.f32 v11, v2;
	[tilespmem:s17+$0xFFFFFF00] =	vst v13  }
0x76: {  	v11 =	vld [tilespmem:s4+$0xFFFFFF40];
	[tilespmem:s17+$0xFFFFFF10] =	vst v4;
	v3 =	vmov v12  }
0x77: {  	v12 =	vld [tilespmem:s4+$0xFFFFFF50];
	[tilespmem:s4+$0xF0] =	vst v9;
	v4 =	vmov v10  }
0x78: {  	v9 =	vld [tilespmem:s4+$0xFFFFFF60];
	[tilespmem:s17+$0xFFFFFF20] =	vst v5;
	v5 =	vmov v8  }
0x79: {  	v8 =	vld [tilespmem:s4+$0xFFFFFF70];
	[tilespmem:s17+$0xFFFFFF30] =	vst v6;
	s17 =	smov.u32 s4  }
0x7a: {  	v6 =	vld [tilespmem:s1+$0xFFFFFFE0]  }
0x7b: {  	v10 =	vmul.f32 v11, v7;
	v11 =	vld [tilespmem:s4+$0xFFFFFF80]  }
0x7c: {  	v12 =	vmul.f32 v12, v7;
	v13 =	vld [tilespmem:s4+$0xFFFFFF90]  }
0x7d: {  	[tilespmem:s4+$0xFFFFFF40] =	vst v10;
	v9 =	vmul.f32 v9, v7;
	v10 =	vld [tilespmem:s4+$0xFFFFFFA0]  }
0x7e: {  	[tilespmem:s4+$0xFFFFFF50] =	vst v12;
	v7 =	vmul.f32 v8, v7;
	v8 =	vld [tilespmem:s4+$0xFFFFFFB0]  }
0x7f: {  	[tilespmem:s4+$0xFFFFFF60] =	vst v9;
	v9 =	vld [tilespmem:s1+$0xFFFFFFF0]  }
0x80: {  	[tilespmem:s4+$0xFFFFFF70] =	vst v7;
	v7 =	vmul.f32 v11, v6;
	v11 =	vld [tilespmem:s4+$0xFFFFFFC0]  }
0x81: {  	v12 =	vmul.f32 v13, v6;
	v13 =	vld [tilespmem:s4+$0xFFFFFFD0]  }
0x82: {  	[tilespmem:s4+$0xFFFFFF80] =	vst v7;
	v7 =	vmul.f32 v10, v6;
	v10 =	vld [tilespmem:s4+$0xFFFFFFE0]  }
0x83: {  	[tilespmem:s4+$0xFFFFFF90] =	vst v12;
	v6 =	vmul.f32 v8, v6;
	v8 =	vld [tilespmem:s4+$0xFFFFFFF0]  }
0x84: {  	[tilespmem:s4+$0xFFFFFFA0] =	vst v7;
	v7 =	vld [tilespmem:s1+$0x0]  }
0x85: {  	[tilespmem:s4+$0xFFFFFFB0] =	vst v6;
	v6 =	vmul.f32 v11, v9;
	v11 =	vld [tilespmem:s4+$0x0]  }
0x86: {  	v12 =	vmul.f32 v13, v9;
	v13 =	vld [tilespmem:s4+$0x10]  }
0x87: {  	[tilespmem:s4+$0xFFFFFFC0] =	vst v6;
	v6 =	vmul.f32 v10, v9;
	v10 =	vld [tilespmem:s4+$0x20]  }
0x88: {  	[tilespmem:s4+$0xFFFFFFD0] =	vst v12;
	v8 =	vmul.f32 v8, v9;
	v9 =	vld [tilespmem:s4+$0x30]  }
0x89: {  	[tilespmem:s4+$0xFFFFFFE0] =	vst v6;
	v12 =	vld [tilespmem:s1+$0x10]  }
0x8a: {  	[tilespmem:s4+$0xFFFFFFF0] =	vst v8;
	v6 =	vmul.f32 v11, v7;
	v8 =	vld [tilespmem:s4+$0x40]  }
0x8b: {  	v11 =	vmul.f32 v13, v7;
	v13 =	vld [tilespmem:s4+$0x50]  }
0x8c: {  	[tilespmem:s4+$0x0] =	vst v6;
	v6 =	vmul.f32 v10, v7;
	v10 =	vld [tilespmem:s4+$0x60]  }
0x8d: {  	[tilespmem:s4+$0x10] =	vst v11;
	v7 =	vmul.f32 v9, v7;
	v9 =	vld [tilespmem:s4+$0x70]  }
0x8e: {  	[tilespmem:s4+$0x20] =	vst v6;
	v6 =	vld [tilespmem:s1+$0x20]  }
0x8f: {  	[tilespmem:s4+$0x30] =	vst v7;
	v7 =	vmul.f32 v8, v12;
	v8 =	vld [tilespmem:s4+$0x80]  }
0x90: {  	v11 =	vmul.f32 v13, v12;
	v13 =	vld [tilespmem:s4+$0x90]  }
0x91: {  	[tilespmem:s4+$0x40] =	vst v7;
	v7 =	vmul.f32 v10, v12;
	v14 =	vld [tilespmem:s4+$0xA0]  }
.Ltmp1:
0x92: {  	[tilespmem:s4+$0x50] =	vst v11;
	v10 =	vmul.f32 v9, v12;
	v11 =	vld [tilespmem:s4+$0xB0];
	(pc) =	sbr.rel @p0 .LBB2_5-.Ltmp1, $4  }
0x93: {  	[tilespmem:s4+$0x60] =	vst v7;
	v9 =	vld [tilespmem:s4+$0xC0]  }
0x94: {  	[tilespmem:s4+$0x70] =	vst v10;
	v15 =	vmul.f32 v8, v6;
	v10 =	vld [tilespmem:s4+$0xD0]  }
0x95: {  	v12 =	vmul.f32 v13, v6;
	v8 =	vld [tilespmem:s4+$0xE0]  }
0x96: {  	v7 =	vld [tilespmem:s1+$0xFFFFFFC0];
	[tilespmem:s4+$0x80] =	vst v15;
	v13 =	vmul.f32 v14, v6;
	s1 =	sadd.s32 $0x80, s1  }
0x97: {  	[tilespmem:s17+$0x90] =	vst v12;
	v6 =	vmul.f32 v11, v6  }
0x98: {  	[tilespmem:s17+$0xA0] =	vst v13;
	v9 =	vmul.f32 v9, v2  }
0x99: {  	[tilespmem:s17+$0xB0] =	vst v6;
	v6 =	vmul.f32 v10, v2  }
0x9a: {  	[tilespmem:s17+$0xC0] =	vst v9;
	v2 =	vmul.f32 v8, v2  }
0x9b: {  	v3 =	vmul.f32 v3, v7;
	[tilespmem:s17+$0xD0] =	vst v6  }
0x9c: {  	v4 =	vmul.f32 v4, v7;
	[tilespmem:s17+$0xE0] =	vst v2  }
0x9d: {  	v1 =	vmul.f32 v1, v7;
	[tilespmem:s17+$0xFFFFFF00] =	vst v3  }
0x9e: {  	s0 =	sshll.u32 s30, $0x8;
	v2 =	vmul.f32 v5, v7;
	[tilespmem:s17+$0xFFFFFF10] =	vst v4  }
0x9f: {  	s0 =	sand.u32 $0x3FFFFF00, s0;
	[tilespmem:s17+$0xFFFFFF30] =	vst v1  }
0xa0: {  	s1 =	sshll.u32 s30, $0x1;
	s4 =	sadd.s32 $0x4F00, s0;
	[tilespmem:s17+$0xFFFFFF20] =	vst v2  }
0xa1: {  	[spmem:s2] =	stream.indirect.scatter.add.f32 [tilespmem:s20], [sflag:$0x3], $0x40, s4, s19, $0xb8;
	[tilespmem:$0x1AE00] =	vst v63  }
0xa2: {  	s31 =	smin.u32 s1, $0x9A;
	_ =	swait.ge [sflag:s16], $0x2000  }
0xa3: {  	s1 =	sadd.s32 $0x2, s31;
	[sflag:s16] =	ssyncset.done $0x0  }
0xa4: {  	s5 =	sshll.u32 s1, $0x7;
	s1 =	sshll.u32 s1, $0x8;
	[sflag:s16] =	ssyncadd.s32 $0xFFFFE000  }
0xa5: {  	[tilespmem:s20], [sflag:$0x1] =	stream.indirect.gather [hbm4b:s11+s19], $0x40, s5, s19, $0xb8;
	[tilespmem:$0x1AE00] =	vst v63  }
0xa6: {  	s1 =	sadd.s32 s12, s1  }
0xa7: {  	[tilespmem:s21], [sflag:$0x1] =	stream.linear.gather [hbm4b:s1+s3], $0x800, $0x38;
	[tilespmem:$0x1AE00] =	vst v63  }
0xa8: {  	_ =	swait.ge [sflag:s26], $0x2000  }
0xa9: {  	[sflag:s26] =	ssyncset.done $0x0  }
0xaa: {  	[sflag:s26] =	ssyncadd.s32 $0xFFFFE000  }
0xab: {  	_ =	swait.ge [sflag:s26], $0x800  }
0xac: {  	[sflag:s26] =	ssyncset.done $0x0  }
0xad: {  	s15 =	simm.s32 $0xE640;
	[sflag:s26] =	ssyncadd.s32 $0xFFFFF800  }
0xae: {  	s17 =	simm.s32 $0xBF00;
	v2 =	vld [tilespmem:s15+$0x30]  }
0xaf: {  	v6 =	vld [tilespmem:s17+$0xF0]  }
0xb0: {  	v3 =	vld [tilespmem:s17+$0xFFFFFF00]  }
0xb1: {  	v4 =	vld [tilespmem:s17+$0xFFFFFF10]  }
0xb2: {  	v5 =	vld [tilespmem:s17+$0xFFFFFF20]  }
0xb3: {  	v1 =	vld [tilespmem:s17+$0xFFFFFF30]  }
0xb4: {  	v7 =	vld [tilespmem:s15+$0xFFFFFFD0]  }
0xb5: {  	v8 =	vld [tilespmem:s17+$0xFFFFFF40]  }
0xb6: {  	v9 =	vld [tilespmem:s17+$0xFFFFFF50]  }
0xb7: {  	v10 =	vld [tilespmem:s17+$0xFFFFFF60]  }
0xb8: {  	v11 =	vld [tilespmem:s17+$0xFFFFFF70]  }
0xb9: {  	v12 =	vld [tilespmem:s15+$0xFFFFFFE0]  }
0xba: {  	v13 =	vld [tilespmem:s17+$0xFFFFFF80]  }
0xbb: {  	v14 =	vld [tilespmem:s17+$0xFFFFFF90]  }
0xbc: {  	v15 =	vld [tilespmem:s17+$0xFFFFFFA0]  }
0xbd: {  	v16 =	vld [tilespmem:s17+$0xFFFFFFB0]  }
0xbe: {  	v17 =	vld [tilespmem:s15+$0xFFFFFFF0];
	v6 =	vmul.f32 v6, v2  }
0xbf: {  	v18 =	vld [tilespmem:s17+$0xFFFFFFC0];
	v8 =	vmul.f32 v8, v7  }
0xc0: {  	v63 =	vld [tilespmem:s17+$0x70];
	[tilespmem:s17+$0xF0] =	vst v6;
	v6 =	vmul.f32 v9, v7  }
0xc1: {  	v9 =	vld [tilespmem:s17+$0xFFFFFFD0];
	[tilespmem:s17+$0xFFFFFF40] =	vst v8;
	v8 =	vmul.f32 v10, v7  }
0xc2: {  	v10 =	vld [tilespmem:s17+$0xFFFFFFE0];
	[tilespmem:s17+$0xFFFFFF50] =	vst v6;
	v6 =	vmul.f32 v11, v7  }
0xc3: {  	v7 =	vld [tilespmem:s17+$0xFFFFFFF0];
	[tilespmem:s17+$0xFFFFFF60] =	vst v8;
	v8 =	vmul.f32 v13, v12  }
0xc4: {  	v11 =	vld [tilespmem:s15+$0x0];
	[tilespmem:s17+$0xFFFFFF70] =	vst v6;
	v6 =	vmul.f32 v14, v12  }
0xc5: {  	v13 =	vld [tilespmem:s17+$0x0];
	[tilespmem:s17+$0xFFFFFF80] =	vst v8;
	v8 =	vmul.f32 v15, v12  }
0xc6: {  	v14 =	vld [tilespmem:s17+$0x10];
	[tilespmem:s17+$0xFFFFFF90] =	vst v6;
	v6 =	vmul.f32 v16, v12  }
0xc7: {  	v15 =	vld [tilespmem:s17+$0x30];
	[tilespmem:s17+$0xFFFFFFA0] =	vst v8;
	v8 =	vmul.f32 v18, v17  }
0xc8: {  	v12 =	vld [tilespmem:s17+$0x20];
	[tilespmem:s17+$0xFFFFFFB0] =	vst v6;
	v6 =	vmul.f32 v9, v17  }
0xc9: {  	v9 =	vld [tilespmem:s15+$0x10];
	[tilespmem:s17+$0xFFFFFFC0] =	vst v8;
	v8 =	vmul.f32 v10, v17  }
0xca: {  	v10 =	vld [tilespmem:s17+$0x40];
	[tilespmem:s17+$0xFFFFFFD0] =	vst v6;
	v6 =	vmul.f32 v7, v17  }
0xcb: {  	v7 =	vld [tilespmem:s17+$0x50];
	[tilespmem:s17+$0xFFFFFFE0] =	vst v8;
	v8 =	vmul.f32 v13, v11  }
0xcc: {  	v14 =	vmul.f32 v14, v11;
	v13 =	vld [tilespmem:s17+$0x60];
	[tilespmem:s17+$0xFFFFFFF0] =	vst v6  }
0xcd: {  	[tilespmem:s17+$0x0] =	vst v8;
	v8 =	vmul.f32 v12, v11;
	v6 =	vld [tilespmem:s15+$0x20]  }
0xce: {  	[tilespmem:s17+$0x10] =	vst v14;
	v11 =	vmul.f32 v15, v11;
	v12 =	vld [tilespmem:s17+$0x80]  }
0xcf: {  	v14 =	vld [tilespmem:s17+$0x90];
	[tilespmem:s17+$0x20] =	vst v8;
	v8 =	vmul.f32 v10, v9  }
0xd0: {  	v15 =	vld [tilespmem:s17+$0xA0];
	[tilespmem:s17+$0x30] =	vst v11;
	v7 =	vmul.f32 v7, v9  }
0xd1: {  	v11 =	vld [tilespmem:s17+$0xB0];
	[tilespmem:s17+$0x40] =	vst v8;
	v8 =	vmul.f32 v13, v9  }
0xd2: {  	[tilespmem:s17+$0x50] =	vst v7;
	v7 =	vmul.f32 v63, v9;
	v9 =	vld [tilespmem:s17+$0xC0]  }
0xd3: {  	v10 =	vld [tilespmem:s17+$0xD0];
	v13 =	vmul.f32 v12, v6;
	[tilespmem:s17+$0x60] =	vst v8  }
0xd4: {  	v12 =	vmul.f32 v14, v6;
	v8 =	vld [tilespmem:s17+$0xE0];
	[tilespmem:s17+$0x70] =	vst v7  }
0xd5: {  	s4 =	simm.s32 $0xE6C0;
	s5 =	simm.s32 $0xBF00;
	s1 =	simm.s32 $0x0;
	v7 =	vld [tilespmem:s15+$0xFFFFFFC0];
	[tilespmem:s17+$0x80] =	vst v13;
	v13 =	vmul.f32 v15, v6  }
.LBB2_7:
0xd6: {  	v14 =	vld [tilespmem:s4+$0x30];
	[tilespmem:s17+$0x90] =	vst v12;
	v6 =	vmul.f32 v11, v6;
	s5 =	sadd.s32 $0x200, s5  }
0xd7: {  	s1 =	sadd.s32 $0x8, s1;
	v11 =	vld [tilespmem:s5+$0xF0];
	[tilespmem:s17+$0xA0] =	vst v13;
	v9 =	vmul.f32 v9, v2  }
0xd8: {  	p0 =	slt.u32 s1, $0x78;
	v12 =	vld [tilespmem:s5+$0xFFFFFF00];
	[tilespmem:s17+$0xB0] =	vst v6;
	v6 =	vmul.f32 v10, v2  }
0xd9: {  	v10 =	vld [tilespmem:s5+$0xFFFFFF10];
	[tilespmem:s17+$0xC0] =	vst v9;
	v9 =	vmul.f32 v8, v2  }
0xda: {  	v8 =	vld [tilespmem:s5+$0xFFFFFF20];
	v13 =	vmul.f32 v3, v7;
	v4 =	vmul.f32 v4, v7;
	[tilespmem:s17+$0xD0] =	vst v6  }
0xdb: {  	v5 =	vmul.f32 v5, v7;
	v6 =	vmul.f32 v1, v7;
	v1 =	vld [tilespmem:s5+$0xFFFFFF30];
	[tilespmem:s17+$0xE0] =	vst v9;
	v2 =	vmov v14  }
0xdc: {  	v7 =	vld [tilespmem:s4+$0xFFFFFFD0];
	v9 =	vmul.f32 v11, v2;
	[tilespmem:s17+$0xFFFFFF00] =	vst v13  }
0xdd: {  	v11 =	vld [tilespmem:s5+$0xFFFFFF40];
	[tilespmem:s17+$0xFFFFFF10] =	vst v4;
	v3 =	vmov v12  }
0xde: {  	v12 =	vld [tilespmem:s5+$0xFFFFFF50];
	[tilespmem:s5+$0xF0] =	vst v9;
	v4 =	vmov v10  }
0xdf: {  	v9 =	vld [tilespmem:s5+$0xFFFFFF60];
	[tilespmem:s17+$0xFFFFFF20] =	vst v5;
	v5 =	vmov v8  }
0xe0: {  	v8 =	vld [tilespmem:s5+$0xFFFFFF70];
	[tilespmem:s17+$0xFFFFFF30] =	vst v6;
	s17 =	smov.u32 s5  }
0xe1: {  	v6 =	vld [tilespmem:s4+$0xFFFFFFE0]  }
0xe2: {  	v10 =	vmul.f32 v11, v7;
	v11 =	vld [tilespmem:s5+$0xFFFFFF80]  }
0xe3: {  	v12 =	vmul.f32 v12, v7;
	v13 =	vld [tilespmem:s5+$0xFFFFFF90]  }
0xe4: {  	[tilespmem:s5+$0xFFFFFF40] =	vst v10;
	v9 =	vmul.f32 v9, v7;
	v10 =	vld [tilespmem:s5+$0xFFFFFFA0]  }
0xe5: {  	[tilespmem:s5+$0xFFFFFF50] =	vst v12;
	v7 =	vmul.f32 v8, v7;
	v8 =	vld [tilespmem:s5+$0xFFFFFFB0]  }
0xe6: {  	[tilespmem:s5+$0xFFFFFF60] =	vst v9;
	v9 =	vld [tilespmem:s4+$0xFFFFFFF0]  }
0xe7: {  	[tilespmem:s5+$0xFFFFFF70] =	vst v7;
	v7 =	vmul.f32 v11, v6;
	v11 =	vld [tilespmem:s5+$0xFFFFFFC0]  }
0xe8: {  	v12 =	vmul.f32 v13, v6;
	v13 =	vld [tilespmem:s5+$0xFFFFFFD0]  }
0xe9: {  	[tilespmem:s5+$0xFFFFFF80] =	vst v7;
	v7 =	vmul.f32 v10, v6;
	v10 =	vld [tilespmem:s5+$0xFFFFFFE0]  }
0xea: {  	[tilespmem:s5+$0xFFFFFF90] =	vst v12;
	v6 =	vmul.f32 v8, v6;
	v8 =	vld [tilespmem:s5+$0xFFFFFFF0]  }
0xeb: {  	[tilespmem:s5+$0xFFFFFFA0] =	vst v7;
	v7 =	vld [tilespmem:s4+$0x0]  }
0xec: {  	[tilespmem:s5+$0xFFFFFFB0] =	vst v6;
	v6 =	vmul.f32 v11, v9;
	v11 =	vld [tilespmem:s5+$0x0]  }
0xed: {  	v12 =	vmul.f32 v13, v9;
	v13 =	vld [tilespmem:s5+$0x10]  }
0xee: {  	[tilespmem:s5+$0xFFFFFFC0] =	vst v6;
	v6 =	vmul.f32 v10, v9;
	v10 =	vld [tilespmem:s5+$0x20]  }
0xef: {  	[tilespmem:s5+$0xFFFFFFD0] =	vst v12;
	v8 =	vmul.f32 v8, v9;
	v9 =	vld [tilespmem:s5+$0x30]  }
0xf0: {  	[tilespmem:s5+$0xFFFFFFE0] =	vst v6;
	v12 =	vld [tilespmem:s4+$0x10]  }
0xf1: {  	[tilespmem:s5+$0xFFFFFFF0] =	vst v8;
	v6 =	vmul.f32 v11, v7;
	v8 =	vld [tilespmem:s5+$0x40]  }
0xf2: {  	v11 =	vmul.f32 v13, v7;
	v13 =	vld [tilespmem:s5+$0x50]  }
0xf3: {  	[tilespmem:s5+$0x0] =	vst v6;
	v6 =	vmul.f32 v10, v7;
	v10 =	vld [tilespmem:s5+$0x60]  }
0xf4: {  	[tilespmem:s5+$0x10] =	vst v11;
	v7 =	vmul.f32 v9, v7;
	v9 =	vld [tilespmem:s5+$0x70]  }
0xf5: {  	[tilespmem:s5+$0x20] =	vst v6;
	v6 =	vld [tilespmem:s4+$0x20]  }
0xf6: {  	[tilespmem:s5+$0x30] =	vst v7;
	v7 =	vmul.f32 v8, v12;
	v8 =	vld [tilespmem:s5+$0x80]  }
0xf7: {  	v11 =	vmul.f32 v13, v12;
	v13 =	vld [tilespmem:s5+$0x90]  }
0xf8: {  	[tilespmem:s5+$0x40] =	vst v7;
	v7 =	vmul.f32 v10, v12;
	v14 =	vld [tilespmem:s5+$0xA0]  }
.Ltmp2:
0xf9: {  	[tilespmem:s5+$0x50] =	vst v11;
	v10 =	vmul.f32 v9, v12;
	v11 =	vld [tilespmem:s5+$0xB0];
	(pc) =	sbr.rel @p0 .LBB2_7-.Ltmp2, $4  }
0xfa: {  	[tilespmem:s5+$0x60] =	vst v7;
	v9 =	vld [tilespmem:s5+$0xC0]  }
0xfb: {  	[tilespmem:s5+$0x70] =	vst v10;
	v15 =	vmul.f32 v8, v6;
	v10 =	vld [tilespmem:s5+$0xD0]  }
0xfc: {  	v12 =	vmul.f32 v13, v6;
	v8 =	vld [tilespmem:s5+$0xE0]  }
0xfd: {  	v7 =	vld [tilespmem:s4+$0xFFFFFFC0];
	[tilespmem:s5+$0x80] =	vst v15;
	v13 =	vmul.f32 v14, v6;
	s4 =	sadd.s32 $0x80, s4  }
0xfe: {  	[tilespmem:s17+$0x90] =	vst v12;
	v6 =	vmul.f32 v11, v6  }
0xff: {  	[tilespmem:s17+$0xA0] =	vst v13;
	v9 =	vmul.f32 v9, v2  }
0x100: {  	[tilespmem:s17+$0xB0] =	vst v6;
	v63 =	vmul.f32 v10, v2  }
0x101: {  	[tilespmem:s17+$0xC0] =	vst v9;
	v2 =	vmul.f32 v8, v2  }
0x102: {  	v3 =	vmul.f32 v3, v7;
	[tilespmem:s17+$0xD0] =	vst v63  }
0x103: {  	v4 =	vmul.f32 v4, v7;
	[tilespmem:s17+$0xE0] =	vst v2  }
0x104: {  	v1 =	vmul.f32 v1, v7;
	[tilespmem:s17+$0xFFFFFF00] =	vst v3  }
0x105: {  	v2 =	vmul.f32 v5, v7;
	[tilespmem:s17+$0xFFFFFF10] =	vst v4  }
0x106: {  	[tilespmem:s17+$0xFFFFFF30] =	vst v1  }
0x107: {  	s0 =	sadd.s32 $0x4F80, s0;
	s30 =	sadd.s32 $0x1, s30;
	[tilespmem:s17+$0xFFFFFF20] =	vst v2  }
0x108: {  	[spmem:s2] =	stream.indirect.scatter.add.f32 [tilespmem:s22], [sflag:$0x3], $0x40, s0, s19, $0xb8;
	[tilespmem:$0x1AE00] =	vst v63  }
0x109: {  	p0 =	sne.s32 s30, $0x4F;
	_ =	swait.ge [sflag:s16], $0x2000  }
.Ltmp3:
0x10a: {  	s31 =	sadd.s32 $0x3, s31;
	[sflag:s16] =	ssyncset.done $0x0;
	(pc) =	sbr.rel @p0 .LBB2_4-.Ltmp3, $4  }
0x10b: {  	s1 =	sshll.u32 s31, $0x7;
	s0 =	sshll.u32 s31, $0x8;
	[sflag:s16] =	ssyncadd.s32 $0xFFFFE000  }
0x10c: {  	[tilespmem:s22], [sflag:$0x2] =	stream.indirect.gather [hbm4b:s11+s19], $0x40, s1, s19, $0xb8;
	[tilespmem:$0x1AE00] =	vst v63  }
0x10d: {  	s0 =	sadd.s32 s12, s0  }
0x10e: {  	[tilespmem:s23], [sflag:$0x2] =	stream.linear.gather [hbm4b:s0+s3], $0x800, $0x38;
	[tilespmem:$0x1AE00] =	vst v63  }
0x10f: {  	_ =	swait.ge [sflag:s24], $0x2000  }
0x110: {  	[sflag:s24] =	ssyncset.done $0x0  }
0x111: {  	[sflag:s24] =	ssyncadd.s32 $0xFFFFE000  }
0x112: {  	_ =	swait.ge [sflag:s24], $0x800  }
0x113: {  	[sflag:s24] =	ssyncset.done $0x0  }
0x114: {  	[sflag:s24] =	ssyncadd.s32 $0xFFFFF800  }
0x115: {  	_ =	swait.ge [sflag:s26], $0x2000  }
0x116: {  	[sflag:s26] =	ssyncset.done $0x0  }
0x117: {  	[sflag:s26] =	ssyncadd.s32 $0xFFFFE000  }
0x118: {  	_ =	swait.ge [sflag:s26], $0x800  }
0x119: {  	s0 =	stileid.u32;
	[sflag:s26] =	ssyncset.done $0x0  }
0x11a: {  	s1 =	sadd.s32 s14, s13;
	s0 =	sshll.u32 s0, $0x6;
	[sflag:s26] =	ssyncadd.s32 $0xFFFFF800  }
0x11b: {  	s31 =	sshrl.u32 s6, $0x3;
	s30 =	sor.u32 $0x1C03, s0;
	[bflag:$0x0] =	sbarrier.arrive $0xFFFF  }
0x11c: {  	[hbm:s1], [sflag:s30] =	dma.local [spmem:s31], $0x1400  }
0x11d: {  	_ =	swait.ge [sflag:s16], $0x1400  }
0x11e: {  	[sflag:s16] =	ssyncset.done $0x0  }
0x11f: {  	[sflag:s16] =	ssyncadd.s32 $0xFFFFEC00  }
0x120: {  	[spmem:s6] =	stream.linear.scatter [tilespmem:s18], [sflag:$0x3], $0x2000, $0x38;
	[tilespmem:$0x1AE00] =	vst v63  }
0x121: {  	_ =	swait.ge [sflag:s16], $0x2000  }
0x122: {  	[sflag:s16] =	ssyncset.done $0x0  }
0x123: {  	[sflag:s16] =	ssyncadd.s32 $0xFFFFE000  }
0x124: {  	[spmem:s7] =	stream.linear.scatter [tilespmem:s18], [sflag:$0x3], $0x2000, $0x38;
	[tilespmem:$0x1AE00] =	vst v63  }
0x125: {  	_ =	swait.ge [sflag:s16], $0x2000  }
0x126: {  	[sflag:s16] =	ssyncset.done $0x0  }
0x127: {  	[sflag:s16] =	ssyncadd.s32 $0xFFFFE000  }
0x128: {  	[spmem:s8] =	stream.linear.scatter [tilespmem:s18], [sflag:$0x3], $0x2000, $0x38;
	[tilespmem:$0x1AE00] =	vst v63  }
0x129: {  	_ =	swait.ge [sflag:s16], $0x2000  }
0x12a: {  	[sflag:s16] =	ssyncset.done $0x0  }
0x12b: {  	[sflag:s16] =	ssyncadd.s32 $0xFFFFE000  }
0x12c: {  	[spmem:s9] =	stream.linear.scatter [tilespmem:s18], [sflag:$0x3], $0x2000, $0x38;
	[tilespmem:$0x1AE00] =	vst v63  }
0x12d: {  	_ =	swait.ge [sflag:s16], $0x2000  }
0x12e: {  	[sflag:s16] =	ssyncset.done $0x0  }
0x12f: {  	[sflag:s16] =	ssyncadd.s32 $0xFFFFE000  }
0x130: {  	[spmem:s10] =	stream.linear.scatter [tilespmem:s18], [sflag:$0x3], $0x2000, $0x38;
	[tilespmem:$0x1AE00] =	vst v63  }
0x131: {  	_ =	swait.ge [sflag:s16], $0x2000  }
0x132: {  	[sflag:s16] =	ssyncset.done $0x0  }
0x133: {  	[sflag:s16] =	ssyncadd.s32 $0xFFFFE000  }
0x134: {  	s0 =	simm.s32 $0x0;
	[bflag:$0x0] =	sbarrier.arrive $0xFFFF  }
0x135: {  	[tilespmem:s20], [sflag:$0x1] =	stream.indirect.gather [hbm4b:s13+s19], $0x40, s0, s19, $0xb8;
	[tilespmem:$0x1AE00] =	vst v63  }
0x136: {  	_ = 	snop  }
0x137: {  	[tilespmem:s21], [sflag:$0x1] =	stream.linear.gather [hbm4b:s12+s0], $0x800, $0x38;
	[tilespmem:$0x1AE00] =	vst v63  }
0x138: {  	_ = 	snop  }
0x139: {  	[tilespmem:s22], [sflag:$0x2] =	stream.indirect.gather [hbm4b:s13+s19], $0x40, s19, s19, $0xb8;
	[tilespmem:$0x1AE00] =	vst v63  }
0x13a: {  	_ = 	snop  }
0x13b: {  	[tilespmem:s23], [sflag:$0x2] =	stream.linear.gather [hbm4b:s29+s0], $0x800, $0x38;
	[tilespmem:$0x1AE00] =	vst v63  }
.LBB2_10:
0x13c: {  	_ =	swait.ge [sflag:s24], $0x2000  }
0x13d: {  	[sflag:s24] =	ssyncset.done $0x0  }
0x13e: {  	[sflag:s24] =	ssyncadd.s32 $0xFFFFE000  }
0x13f: {  	_ =	swait.ge [sflag:s24], $0x800  }
0x140: {  	[sflag:s24] =	ssyncset.done $0x0  }
0x141: {  	s4 =	simm.s32 $0xDE40;
	[sflag:s24] =	ssyncadd.s32 $0xFFFFF800  }
0x142: {  	s17 =	simm.s32 $0x9F00;
	v2 =	vld [tilespmem:s4+$0x30]  }
0x143: {  	v6 =	vld [tilespmem:s17+$0xF0]  }
0x144: {  	v3 =	vld [tilespmem:s17+$0xFFFFFF00]  }
0x145: {  	v4 =	vld [tilespmem:s17+$0xFFFFFF10]  }
0x146: {  	v5 =	vld [tilespmem:s17+$0xFFFFFF20]  }
0x147: {  	v1 =	vld [tilespmem:s17+$0xFFFFFF30]  }
0x148: {  	v7 =	vld [tilespmem:s4+$0xFFFFFFD0]  }
0x149: {  	v8 =	vld [tilespmem:s17+$0xFFFFFF40]  }
0x14a: {  	v9 =	vld [tilespmem:s17+$0xFFFFFF50]  }
0x14b: {  	v10 =	vld [tilespmem:s17+$0xFFFFFF60]  }
0x14c: {  	v11 =	vld [tilespmem:s17+$0xFFFFFF70]  }
0x14d: {  	v12 =	vld [tilespmem:s4+$0xFFFFFFE0]  }
0x14e: {  	v13 =	vld [tilespmem:s17+$0xFFFFFF80]  }
0x14f: {  	v14 =	vld [tilespmem:s17+$0xFFFFFF90]  }
0x150: {  	v15 =	vld [tilespmem:s17+$0xFFFFFFA0]  }
0x151: {  	v16 =	vld [tilespmem:s17+$0xFFFFFFB0]  }
0x152: {  	v17 =	vld [tilespmem:s4+$0xFFFFFFF0];
	v6 =	vmul.f32 v6, v2  }
0x153: {  	v18 =	vld [tilespmem:s17+$0xFFFFFFC0];
	v8 =	vmul.f32 v8, v7  }
0x154: {  	v63 =	vld [tilespmem:s17+$0x70];
	[tilespmem:s17+$0xF0] =	vst v6;
	v6 =	vmul.f32 v9, v7  }
0x155: {  	v9 =	vld [tilespmem:s17+$0xFFFFFFD0];
	[tilespmem:s17+$0xFFFFFF40] =	vst v8;
	v8 =	vmul.f32 v10, v7  }
0x156: {  	v10 =	vld [tilespmem:s17+$0xFFFFFFE0];
	[tilespmem:s17+$0xFFFFFF50] =	vst v6;
	v6 =	vmul.f32 v11, v7  }
0x157: {  	v7 =	vld [tilespmem:s17+$0xFFFFFFF0];
	[tilespmem:s17+$0xFFFFFF60] =	vst v8;
	v8 =	vmul.f32 v13, v12  }
0x158: {  	v11 =	vld [tilespmem:s4+$0x0];
	[tilespmem:s17+$0xFFFFFF70] =	vst v6;
	v6 =	vmul.f32 v14, v12  }
0x159: {  	v13 =	vld [tilespmem:s17+$0x0];
	[tilespmem:s17+$0xFFFFFF80] =	vst v8;
	v8 =	vmul.f32 v15, v12  }
0x15a: {  	v14 =	vld [tilespmem:s17+$0x10];
	[tilespmem:s17+$0xFFFFFF90] =	vst v6;
	v6 =	vmul.f32 v16, v12  }
0x15b: {  	v15 =	vld [tilespmem:s17+$0x30];
	[tilespmem:s17+$0xFFFFFFA0] =	vst v8;
	v8 =	vmul.f32 v18, v17  }
0x15c: {  	v12 =	vld [tilespmem:s17+$0x20];
	[tilespmem:s17+$0xFFFFFFB0] =	vst v6;
	v6 =	vmul.f32 v9, v17  }
0x15d: {  	v9 =	vld [tilespmem:s4+$0x10];
	[tilespmem:s17+$0xFFFFFFC0] =	vst v8;
	v8 =	vmul.f32 v10, v17  }
0x15e: {  	v10 =	vld [tilespmem:s17+$0x40];
	[tilespmem:s17+$0xFFFFFFD0] =	vst v6;
	v6 =	vmul.f32 v7, v17  }
0x15f: {  	v7 =	vld [tilespmem:s17+$0x50];
	[tilespmem:s17+$0xFFFFFFE0] =	vst v8;
	v8 =	vmul.f32 v13, v11  }
0x160: {  	v14 =	vmul.f32 v14, v11;
	v13 =	vld [tilespmem:s17+$0x60];
	[tilespmem:s17+$0xFFFFFFF0] =	vst v6  }
0x161: {  	[tilespmem:s17+$0x0] =	vst v8;
	v8 =	vmul.f32 v12, v11;
	v6 =	vld [tilespmem:s4+$0x20]  }
0x162: {  	[tilespmem:s17+$0x10] =	vst v14;
	v11 =	vmul.f32 v15, v11;
	v12 =	vld [tilespmem:s17+$0x80]  }
0x163: {  	v14 =	vld [tilespmem:s17+$0x90];
	[tilespmem:s17+$0x20] =	vst v8;
	v8 =	vmul.f32 v10, v9  }
0x164: {  	v15 =	vld [tilespmem:s17+$0xA0];
	[tilespmem:s17+$0x30] =	vst v11;
	v7 =	vmul.f32 v7, v9  }
0x165: {  	v11 =	vld [tilespmem:s17+$0xB0];
	[tilespmem:s17+$0x40] =	vst v8;
	v8 =	vmul.f32 v13, v9  }
0x166: {  	[tilespmem:s17+$0x50] =	vst v7;
	v7 =	vmul.f32 v63, v9;
	v9 =	vld [tilespmem:s17+$0xC0]  }
0x167: {  	v10 =	vld [tilespmem:s17+$0xD0];
	v13 =	vmul.f32 v12, v6;
	[tilespmem:s17+$0x60] =	vst v8  }
0x168: {  	v12 =	vmul.f32 v14, v6;
	v8 =	vld [tilespmem:s17+$0xE0];
	[tilespmem:s17+$0x70] =	vst v7  }
0x169: {  	s1 =	simm.s32 $0x0;
	s5 =	simm.s32 $0x9F00;
	v7 =	vld [tilespmem:s4+$0xFFFFFFC0];
	[tilespmem:s17+$0x80] =	vst v13;
	v13 =	vmul.f32 v15, v6;
	s4 =	simm.s32 $0xDEC0  }
.LBB2_11:
0x16a: {  	v14 =	vld [tilespmem:s4+$0x30];
	[tilespmem:s17+$0x90] =	vst v12;
	v6 =	vmul.f32 v11, v6;
	s5 =	sadd.s32 $0x200, s5  }
0x16b: {  	s1 =	sadd.s32 $0x8, s1;
	v11 =	vld [tilespmem:s5+$0xF0];
	[tilespmem:s17+$0xA0] =	vst v13;
	v9 =	vmul.f32 v9, v2  }
0x16c: {  	p0 =	slt.u32 s1, $0x78;
	v12 =	vld [tilespmem:s5+$0xFFFFFF00];
	[tilespmem:s17+$0xB0] =	vst v6;
	v6 =	vmul.f32 v10, v2  }
0x16d: {  	v10 =	vld [tilespmem:s5+$0xFFFFFF10];
	[tilespmem:s17+$0xC0] =	vst v9;
	v9 =	vmul.f32 v8, v2  }
0x16e: {  	v8 =	vld [tilespmem:s5+$0xFFFFFF20];
	v13 =	vmul.f32 v3, v7;
	v4 =	vmul.f32 v4, v7;
	[tilespmem:s17+$0xD0] =	vst v6  }
0x16f: {  	v5 =	vmul.f32 v5, v7;
	v6 =	vmul.f32 v1, v7;
	v1 =	vld [tilespmem:s5+$0xFFFFFF30];
	[tilespmem:s17+$0xE0] =	vst v9;
	v2 =	vmov v14  }
0x170: {  	v7 =	vld [tilespmem:s4+$0xFFFFFFD0];
	v9 =	vmul.f32 v11, v2;
	[tilespmem:s17+$0xFFFFFF00] =	vst v13  }
0x171: {  	v11 =	vld [tilespmem:s5+$0xFFFFFF40];
	[tilespmem:s17+$0xFFFFFF10] =	vst v4;
	v3 =	vmov v12  }
0x172: {  	v12 =	vld [tilespmem:s5+$0xFFFFFF50];
	[tilespmem:s5+$0xF0] =	vst v9;
	v4 =	vmov v10  }
0x173: {  	v9 =	vld [tilespmem:s5+$0xFFFFFF60];
	[tilespmem:s17+$0xFFFFFF20] =	vst v5;
	v5 =	vmov v8  }
0x174: {  	v8 =	vld [tilespmem:s5+$0xFFFFFF70];
	[tilespmem:s17+$0xFFFFFF30] =	vst v6;
	s17 =	smov.u32 s5  }
0x175: {  	v6 =	vld [tilespmem:s4+$0xFFFFFFE0]  }
0x176: {  	v10 =	vmul.f32 v11, v7;
	v11 =	vld [tilespmem:s5+$0xFFFFFF80]  }
0x177: {  	v12 =	vmul.f32 v12, v7;
	v13 =	vld [tilespmem:s5+$0xFFFFFF90]  }
0x178: {  	[tilespmem:s5+$0xFFFFFF40] =	vst v10;
	v9 =	vmul.f32 v9, v7;
	v10 =	vld [tilespmem:s5+$0xFFFFFFA0]  }
0x179: {  	[tilespmem:s5+$0xFFFFFF50] =	vst v12;
	v7 =	vmul.f32 v8, v7;
	v8 =	vld [tilespmem:s5+$0xFFFFFFB0]  }
0x17a: {  	[tilespmem:s5+$0xFFFFFF60] =	vst v9;
	v9 =	vld [tilespmem:s4+$0xFFFFFFF0]  }
0x17b: {  	[tilespmem:s5+$0xFFFFFF70] =	vst v7;
	v7 =	vmul.f32 v11, v6;
	v11 =	vld [tilespmem:s5+$0xFFFFFFC0]  }
0x17c: {  	v12 =	vmul.f32 v13, v6;
	v13 =	vld [tilespmem:s5+$0xFFFFFFD0]  }
0x17d: {  	[tilespmem:s5+$0xFFFFFF80] =	vst v7;
	v7 =	vmul.f32 v10, v6;
	v10 =	vld [tilespmem:s5+$0xFFFFFFE0]  }
0x17e: {  	[tilespmem:s5+$0xFFFFFF90] =	vst v12;
	v6 =	vmul.f32 v8, v6;
	v8 =	vld [tilespmem:s5+$0xFFFFFFF0]  }
0x17f: {  	[tilespmem:s5+$0xFFFFFFA0] =	vst v7;
	v7 =	vld [tilespmem:s4+$0x0]  }
0x180: {  	[tilespmem:s5+$0xFFFFFFB0] =	vst v6;
	v6 =	vmul.f32 v11, v9;
	v11 =	vld [tilespmem:s5+$0x0]  }
0x181: {  	v12 =	vmul.f32 v13, v9;
	v13 =	vld [tilespmem:s5+$0x10]  }
0x182: {  	[tilespmem:s5+$0xFFFFFFC0] =	vst v6;
	v6 =	vmul.f32 v10, v9;
	v10 =	vld [tilespmem:s5+$0x20]  }
0x183: {  	[tilespmem:s5+$0xFFFFFFD0] =	vst v12;
	v8 =	vmul.f32 v8, v9;
	v9 =	vld [tilespmem:s5+$0x30]  }
0x184: {  	[tilespmem:s5+$0xFFFFFFE0] =	vst v6;
	v12 =	vld [tilespmem:s4+$0x10]  }
0x185: {  	[tilespmem:s5+$0xFFFFFFF0] =	vst v8;
	v6 =	vmul.f32 v11, v7;
	v8 =	vld [tilespmem:s5+$0x40]  }
0x186: {  	v11 =	vmul.f32 v13, v7;
	v13 =	vld [tilespmem:s5+$0x50]  }
0x187: {  	[tilespmem:s5+$0x0] =	vst v6;
	v6 =	vmul.f32 v10, v7;
	v10 =	vld [tilespmem:s5+$0x60]  }
0x188: {  	[tilespmem:s5+$0x10] =	vst v11;
	v7 =	vmul.f32 v9, v7;
	v9 =	vld [tilespmem:s5+$0x70]  }
0x189: {  	[tilespmem:s5+$0x20] =	vst v6;
	v6 =	vld [tilespmem:s4+$0x20]  }
0x18a: {  	[tilespmem:s5+$0x30] =	vst v7;
	v7 =	vmul.f32 v8, v12;
	v8 =	vld [tilespmem:s5+$0x80]  }
0x18b: {  	v11 =	vmul.f32 v13, v12;
	v13 =	vld [tilespmem:s5+$0x90]  }
0x18c: {  	[tilespmem:s5+$0x40] =	vst v7;
	v7 =	vmul.f32 v10, v12;
	v14 =	vld [tilespmem:s5+$0xA0]  }
.Ltmp4:
0x18d: {  	[tilespmem:s5+$0x50] =	vst v11;
	v10 =	vmul.f32 v9, v12;
	v11 =	vld [tilespmem:s5+$0xB0];
	(pc) =	sbr.rel @p0 .LBB2_11-.Ltmp4, $4  }
0x18e: {  	[tilespmem:s5+$0x60] =	vst v7;
	v9 =	vld [tilespmem:s5+$0xC0]  }
0x18f: {  	[tilespmem:s5+$0x70] =	vst v10;
	v15 =	vmul.f32 v8, v6;
	v10 =	vld [tilespmem:s5+$0xD0]  }
0x190: {  	v12 =	vmul.f32 v13, v6;
	v8 =	vld [tilespmem:s5+$0xE0]  }
0x191: {  	v7 =	vld [tilespmem:s4+$0xFFFFFFC0];
	[tilespmem:s5+$0x80] =	vst v15;
	v13 =	vmul.f32 v14, v6;
	s4 =	sadd.s32 $0x80, s4  }
0x192: {  	[tilespmem:s17+$0x90] =	vst v12;
	v6 =	vmul.f32 v11, v6  }
0x193: {  	[tilespmem:s17+$0xA0] =	vst v13;
	v9 =	vmul.f32 v9, v2  }
0x194: {  	[tilespmem:s17+$0xB0] =	vst v6;
	v6 =	vmul.f32 v10, v2  }
0x195: {  	[tilespmem:s17+$0xC0] =	vst v9;
	v2 =	vmul.f32 v8, v2  }
0x196: {  	v3 =	vmul.f32 v3, v7;
	[tilespmem:s17+$0xD0] =	vst v6  }
0x197: {  	v4 =	vmul.f32 v4, v7;
	[tilespmem:s17+$0xE0] =	vst v2  }
0x198: {  	v1 =	vmul.f32 v1, v7;
	[tilespmem:s17+$0xFFFFFF00] =	vst v3  }
0x199: {  	s1 =	sshll.u32 s0, $0x8;
	v2 =	vmul.f32 v5, v7;
	[tilespmem:s17+$0xFFFFFF10] =	vst v4  }
0x19a: {  	s29 =	sand.u32 $0x3FFFFF00, s1;
	[tilespmem:s17+$0xFFFFFF30] =	vst v1  }
0x19b: {  	s5 =	sshll.u32 s0, $0x1;
	s4 =	sadd.s32 $0x4F00, s29;
	[tilespmem:s17+$0xFFFFFF20] =	vst v2  }
0x19c: {  	[spmem:s2] =	stream.indirect.scatter.add.f32 [tilespmem:s20], [sflag:$0x3], $0x40, s4, s19, $0xb8;
	[tilespmem:$0x1AE00] =	vst v63  }
0x19d: {  	s17 =	smin.u32 s5, $0x9A;
	_ =	swait.ge [sflag:s16], $0x2000  }
0x19e: {  	s1 =	sadd.s32 $0x2, s17;
	[sflag:s16] =	ssyncset.done $0x0  }
0x19f: {  	s15 =	sshll.u32 s1, $0x7;
	s1 =	sshll.u32 s1, $0x8;
	[sflag:s16] =	ssyncadd.s32 $0xFFFFE000  }
0x1a0: {  	[tilespmem:s20], [sflag:$0x1] =	stream.indirect.gather [hbm4b:s13+s19], $0x40, s15, s19, $0xb8;
	[tilespmem:$0x1AE00] =	vst v63  }
0x1a1: {  	s1 =	sadd.s32 s12, s1  }
0x1a2: {  	[tilespmem:s21], [sflag:$0x1] =	stream.linear.gather [hbm4b:s1+s3], $0x800, $0x38;
	[tilespmem:$0x1AE00] =	vst v63  }
0x1a3: {  	_ =	swait.ge [sflag:s26], $0x2000  }
0x1a4: {  	[sflag:s26] =	ssyncset.done $0x0  }
0x1a5: {  	[sflag:s26] =	ssyncadd.s32 $0xFFFFE000  }
0x1a6: {  	_ =	swait.ge [sflag:s26], $0x800  }
0x1a7: {  	[sflag:s26] =	ssyncset.done $0x0  }
0x1a8: {  	s5 =	simm.s32 $0xE640;
	[sflag:s26] =	ssyncadd.s32 $0xFFFFF800  }
0x1a9: {  	s1 =	simm.s32 $0xBF00;
	v2 =	vld [tilespmem:s5+$0x30]  }
0x1aa: {  	v6 =	vld [tilespmem:s1+$0xF0]  }
0x1ab: {  	v3 =	vld [tilespmem:s1+$0xFFFFFF00]  }
0x1ac: {  	v4 =	vld [tilespmem:s1+$0xFFFFFF10]  }
0x1ad: {  	v5 =	vld [tilespmem:s1+$0xFFFFFF20]  }
0x1ae: {  	v1 =	vld [tilespmem:s1+$0xFFFFFF30]  }
0x1af: {  	v7 =	vld [tilespmem:s5+$0xFFFFFFD0]  }
0x1b0: {  	v8 =	vld [tilespmem:s1+$0xFFFFFF40]  }
0x1b1: {  	v9 =	vld [tilespmem:s1+$0xFFFFFF50]  }
0x1b2: {  	v10 =	vld [tilespmem:s1+$0xFFFFFF60]  }
0x1b3: {  	v11 =	vld [tilespmem:s1+$0xFFFFFF70]  }
0x1b4: {  	v12 =	vld [tilespmem:s5+$0xFFFFFFE0]  }
0x1b5: {  	v13 =	vld [tilespmem:s1+$0xFFFFFF80]  }
0x1b6: {  	v14 =	vld [tilespmem:s1+$0xFFFFFF90]  }
0x1b7: {  	v15 =	vld [tilespmem:s1+$0xFFFFFFA0]  }
0x1b8: {  	v16 =	vld [tilespmem:s1+$0xFFFFFFB0]  }
0x1b9: {  	v17 =	vld [tilespmem:s5+$0xFFFFFFF0];
	v6 =	vmul.f32 v6, v2  }
0x1ba: {  	v18 =	vld [tilespmem:s1+$0xFFFFFFC0];
	v8 =	vmul.f32 v8, v7  }
0x1bb: {  	v63 =	vld [tilespmem:s1+$0x70];
	[tilespmem:s1+$0xF0] =	vst v6;
	v6 =	vmul.f32 v9, v7  }
0x1bc: {  	v9 =	vld [tilespmem:s1+$0xFFFFFFD0];
	[tilespmem:s1+$0xFFFFFF40] =	vst v8;
	v8 =	vmul.f32 v10, v7  }
0x1bd: {  	v10 =	vld [tilespmem:s1+$0xFFFFFFE0];
	[tilespmem:s1+$0xFFFFFF50] =	vst v6;
	v6 =	vmul.f32 v11, v7  }
0x1be: {  	v7 =	vld [tilespmem:s1+$0xFFFFFFF0];
	[tilespmem:s1+$0xFFFFFF60] =	vst v8;
	v8 =	vmul.f32 v13, v12  }
0x1bf: {  	v11 =	vld [tilespmem:s5+$0x0];
	[tilespmem:s1+$0xFFFFFF70] =	vst v6;
	v6 =	vmul.f32 v14, v12  }
0x1c0: {  	v13 =	vld [tilespmem:s1+$0x0];
	[tilespmem:s1+$0xFFFFFF80] =	vst v8;
	v8 =	vmul.f32 v15, v12  }
0x1c1: {  	v14 =	vld [tilespmem:s1+$0x10];
	[tilespmem:s1+$0xFFFFFF90] =	vst v6;
	v6 =	vmul.f32 v16, v12  }
0x1c2: {  	v15 =	vld [tilespmem:s1+$0x30];
	[tilespmem:s1+$0xFFFFFFA0] =	vst v8;
	v8 =	vmul.f32 v18, v17  }
0x1c3: {  	v12 =	vld [tilespmem:s1+$0x20];
	[tilespmem:s1+$0xFFFFFFB0] =	vst v6;
	v6 =	vmul.f32 v9, v17  }
0x1c4: {  	v9 =	vld [tilespmem:s5+$0x10];
	[tilespmem:s1+$0xFFFFFFC0] =	vst v8;
	v8 =	vmul.f32 v10, v17  }
0x1c5: {  	v10 =	vld [tilespmem:s1+$0x40];
	[tilespmem:s1+$0xFFFFFFD0] =	vst v6;
	v6 =	vmul.f32 v7, v17  }
0x1c6: {  	v7 =	vld [tilespmem:s1+$0x50];
	[tilespmem:s1+$0xFFFFFFE0] =	vst v8;
	v8 =	vmul.f32 v13, v11  }
0x1c7: {  	v14 =	vmul.f32 v14, v11;
	v13 =	vld [tilespmem:s1+$0x60];
	[tilespmem:s1+$0xFFFFFFF0] =	vst v6  }
0x1c8: {  	[tilespmem:s1+$0x0] =	vst v8;
	v8 =	vmul.f32 v12, v11;
	v6 =	vld [tilespmem:s5+$0x20]  }
0x1c9: {  	[tilespmem:s1+$0x10] =	vst v14;
	v11 =	vmul.f32 v15, v11;
	v12 =	vld [tilespmem:s1+$0x80]  }
0x1ca: {  	v14 =	vld [tilespmem:s1+$0x90];
	[tilespmem:s1+$0x20] =	vst v8;
	v8 =	vmul.f32 v10, v9  }
0x1cb: {  	v15 =	vld [tilespmem:s1+$0xA0];
	[tilespmem:s1+$0x30] =	vst v11;
	v7 =	vmul.f32 v7, v9  }
0x1cc: {  	v11 =	vld [tilespmem:s1+$0xB0];
	[tilespmem:s1+$0x40] =	vst v8;
	v8 =	vmul.f32 v13, v9  }
0x1cd: {  	[tilespmem:s1+$0x50] =	vst v7;
	v7 =	vmul.f32 v63, v9;
	v9 =	vld [tilespmem:s1+$0xC0]  }
0x1ce: {  	v10 =	vld [tilespmem:s1+$0xD0];
	v13 =	vmul.f32 v12, v6;
	[tilespmem:s1+$0x60] =	vst v8  }
0x1cf: {  	v12 =	vmul.f32 v14, v6;
	v8 =	vld [tilespmem:s1+$0xE0];
	[tilespmem:s1+$0x70] =	vst v7  }
0x1d0: {  	s4 =	simm.s32 $0x0;
	s15 =	simm.s32 $0xBF00;
	v7 =	vld [tilespmem:s5+$0xFFFFFFC0];
	[tilespmem:s1+$0x80] =	vst v13;
	v13 =	vmul.f32 v15, v6;
	s5 =	simm.s32 $0xE6C0  }
.LBB2_13:
0x1d1: {  	v14 =	vld [tilespmem:s5+$0x30];
	[tilespmem:s1+$0x90] =	vst v12;
	v6 =	vmul.f32 v11, v6;
	s15 =	sadd.s32 $0x200, s15  }
0x1d2: {  	s4 =	sadd.s32 $0x8, s4;
	v11 =	vld [tilespmem:s15+$0xF0];
	[tilespmem:s1+$0xA0] =	vst v13;
	v9 =	vmul.f32 v9, v2  }
0x1d3: {  	p0 =	slt.u32 s4, $0x78;
	v12 =	vld [tilespmem:s15+$0xFFFFFF00];
	[tilespmem:s1+$0xB0] =	vst v6;
	v6 =	vmul.f32 v10, v2  }
0x1d4: {  	v10 =	vld [tilespmem:s15+$0xFFFFFF10];
	[tilespmem:s1+$0xC0] =	vst v9;
	v9 =	vmul.f32 v8, v2  }
0x1d5: {  	v8 =	vld [tilespmem:s15+$0xFFFFFF20];
	v13 =	vmul.f32 v3, v7;
	v4 =	vmul.f32 v4, v7;
	[tilespmem:s1+$0xD0] =	vst v6  }
0x1d6: {  	v5 =	vmul.f32 v5, v7;
	v6 =	vmul.f32 v1, v7;
	v1 =	vld [tilespmem:s15+$0xFFFFFF30];
	[tilespmem:s1+$0xE0] =	vst v9;
	v2 =	vmov v14  }
0x1d7: {  	v7 =	vld [tilespmem:s5+$0xFFFFFFD0];
	v9 =	vmul.f32 v11, v2;
	[tilespmem:s1+$0xFFFFFF00] =	vst v13  }
0x1d8: {  	v11 =	vld [tilespmem:s15+$0xFFFFFF40];
	[tilespmem:s1+$0xFFFFFF10] =	vst v4;
	v3 =	vmov v12  }
0x1d9: {  	v12 =	vld [tilespmem:s15+$0xFFFFFF50];
	[tilespmem:s15+$0xF0] =	vst v9;
	v4 =	vmov v10  }
0x1da: {  	v9 =	vld [tilespmem:s15+$0xFFFFFF60];
	[tilespmem:s1+$0xFFFFFF20] =	vst v5;
	v5 =	vmov v8  }
0x1db: {  	v8 =	vld [tilespmem:s15+$0xFFFFFF70];
	[tilespmem:s1+$0xFFFFFF30] =	vst v6;
	s1 =	smov.u32 s15  }
0x1dc: {  	v6 =	vld [tilespmem:s5+$0xFFFFFFE0]  }
0x1dd: {  	v10 =	vmul.f32 v11, v7;
	v11 =	vld [tilespmem:s15+$0xFFFFFF80]  }
0x1de: {  	v12 =	vmul.f32 v12, v7;
	v13 =	vld [tilespmem:s15+$0xFFFFFF90]  }
0x1df: {  	[tilespmem:s15+$0xFFFFFF40] =	vst v10;
	v9 =	vmul.f32 v9, v7;
	v10 =	vld [tilespmem:s15+$0xFFFFFFA0]  }
0x1e0: {  	[tilespmem:s15+$0xFFFFFF50] =	vst v12;
	v7 =	vmul.f32 v8, v7;
	v8 =	vld [tilespmem:s15+$0xFFFFFFB0]  }
0x1e1: {  	[tilespmem:s15+$0xFFFFFF60] =	vst v9;
	v9 =	vld [tilespmem:s5+$0xFFFFFFF0]  }
0x1e2: {  	[tilespmem:s15+$0xFFFFFF70] =	vst v7;
	v7 =	vmul.f32 v11, v6;
	v11 =	vld [tilespmem:s15+$0xFFFFFFC0]  }
0x1e3: {  	v12 =	vmul.f32 v13, v6;
	v13 =	vld [tilespmem:s15+$0xFFFFFFD0]  }
0x1e4: {  	[tilespmem:s15+$0xFFFFFF80] =	vst v7;
	v7 =	vmul.f32 v10, v6;
	v10 =	vld [tilespmem:s15+$0xFFFFFFE0]  }
0x1e5: {  	[tilespmem:s15+$0xFFFFFF90] =	vst v12;
	v6 =	vmul.f32 v8, v6;
	v8 =	vld [tilespmem:s15+$0xFFFFFFF0]  }
0x1e6: {  	[tilespmem:s15+$0xFFFFFFA0] =	vst v7;
	v7 =	vld [tilespmem:s5+$0x0]  }
0x1e7: {  	[tilespmem:s15+$0xFFFFFFB0] =	vst v6;
	v6 =	vmul.f32 v11, v9;
	v11 =	vld [tilespmem:s15+$0x0]  }
0x1e8: {  	v12 =	vmul.f32 v13, v9;
	v13 =	vld [tilespmem:s15+$0x10]  }
0x1e9: {  	[tilespmem:s15+$0xFFFFFFC0] =	vst v6;
	v6 =	vmul.f32 v10, v9;
	v10 =	vld [tilespmem:s15+$0x20]  }
0x1ea: {  	[tilespmem:s15+$0xFFFFFFD0] =	vst v12;
	v8 =	vmul.f32 v8, v9;
	v9 =	vld [tilespmem:s15+$0x30]  }
0x1eb: {  	[tilespmem:s15+$0xFFFFFFE0] =	vst v6;
	v12 =	vld [tilespmem:s5+$0x10]  }
0x1ec: {  	[tilespmem:s15+$0xFFFFFFF0] =	vst v8;
	v6 =	vmul.f32 v11, v7;
	v8 =	vld [tilespmem:s15+$0x40]  }
0x1ed: {  	v11 =	vmul.f32 v13, v7;
	v13 =	vld [tilespmem:s15+$0x50]  }
0x1ee: {  	[tilespmem:s15+$0x0] =	vst v6;
	v6 =	vmul.f32 v10, v7;
	v10 =	vld [tilespmem:s15+$0x60]  }
0x1ef: {  	[tilespmem:s15+$0x10] =	vst v11;
	v7 =	vmul.f32 v9, v7;
	v9 =	vld [tilespmem:s15+$0x70]  }
0x1f0: {  	[tilespmem:s15+$0x20] =	vst v6;
	v6 =	vld [tilespmem:s5+$0x20]  }
0x1f1: {  	[tilespmem:s15+$0x30] =	vst v7;
	v7 =	vmul.f32 v8, v12;
	v8 =	vld [tilespmem:s15+$0x80]  }
0x1f2: {  	v11 =	vmul.f32 v13, v12;
	v13 =	vld [tilespmem:s15+$0x90]  }
0x1f3: {  	[tilespmem:s15+$0x40] =	vst v7;
	v7 =	vmul.f32 v10, v12;
	v14 =	vld [tilespmem:s15+$0xA0]  }
.Ltmp5:
0x1f4: {  	[tilespmem:s15+$0x50] =	vst v11;
	v10 =	vmul.f32 v9, v12;
	v11 =	vld [tilespmem:s15+$0xB0];
	(pc) =	sbr.rel @p0 .LBB2_13-.Ltmp5, $4  }
0x1f5: {  	[tilespmem:s15+$0x60] =	vst v7;
	v9 =	vld [tilespmem:s15+$0xC0]  }
0x1f6: {  	[tilespmem:s15+$0x70] =	vst v10;
	v15 =	vmul.f32 v8, v6;
	v10 =	vld [tilespmem:s15+$0xD0]  }
0x1f7: {  	v12 =	vmul.f32 v13, v6;
	v8 =	vld [tilespmem:s15+$0xE0]  }
0x1f8: {  	v7 =	vld [tilespmem:s5+$0xFFFFFFC0];
	[tilespmem:s15+$0x80] =	vst v15;
	v13 =	vmul.f32 v14, v6;
	s5 =	sadd.s32 $0x80, s5  }
0x1f9: {  	[tilespmem:s1+$0x90] =	vst v12;
	v6 =	vmul.f32 v11, v6  }
0x1fa: {  	[tilespmem:s1+$0xA0] =	vst v13;
	v9 =	vmul.f32 v9, v2  }
0x1fb: {  	[tilespmem:s1+$0xB0] =	vst v6;
	v63 =	vmul.f32 v10, v2  }
0x1fc: {  	[tilespmem:s1+$0xC0] =	vst v9;
	v2 =	vmul.f32 v8, v2  }
0x1fd: {  	v3 =	vmul.f32 v3, v7;
	[tilespmem:s1+$0xD0] =	vst v63  }
0x1fe: {  	v4 =	vmul.f32 v4, v7;
	[tilespmem:s1+$0xE0] =	vst v2  }
0x1ff: {  	v1 =	vmul.f32 v1, v7;
	[tilespmem:s1+$0xFFFFFF00] =	vst v3  }
0x200: {  	v2 =	vmul.f32 v5, v7;
	[tilespmem:s1+$0xFFFFFF10] =	vst v4  }
0x201: {  	[tilespmem:s1+$0xFFFFFF30] =	vst v1  }
0x202: {  	s15 =	sadd.s32 $0x4F80, s29;
	s0 =	sadd.s32 $0x1, s0;
	[tilespmem:s1+$0xFFFFFF20] =	vst v2  }
0x203: {  	[spmem:s2] =	stream.indirect.scatter.add.f32 [tilespmem:s22], [sflag:$0x3], $0x40, s15, s19, $0xb8;
	[tilespmem:$0x1AE00] =	vst v63  }
0x204: {  	p0 =	sne.s32 s0, $0x4F;
	_ =	swait.ge [sflag:s16], $0x2000  }
.Ltmp6:
0x205: {  	s29 =	sadd.s32 $0x3, s17;
	[sflag:s16] =	ssyncset.done $0x0;
	(pc) =	sbr.rel @p0 .LBB2_10-.Ltmp6, $4  }
0x206: {  	s4 =	sshll.u32 s29, $0x7;
	s1 =	sshll.u32 s29, $0x8;
	[sflag:s16] =	ssyncadd.s32 $0xFFFFE000  }
0x207: {  	[tilespmem:s22], [sflag:$0x2] =	stream.indirect.gather [hbm4b:s13+s19], $0x40, s4, s19, $0xb8;
	[tilespmem:$0x1AE00] =	vst v63  }
0x208: {  	s1 =	sadd.s32 s12, s1  }
0x209: {  	[tilespmem:s23], [sflag:$0x2] =	stream.linear.gather [hbm4b:s1+s3], $0x800, $0x38;
	[tilespmem:$0x1AE00] =	vst v63  }
0x20a: {  	_ =	swait.ge [sflag:s24], $0x2000  }
0x20b: {  	[sflag:s24] =	ssyncset.done $0x0  }
0x20c: {  	[sflag:s24] =	ssyncadd.s32 $0xFFFFE000  }
0x20d: {  	_ =	swait.ge [sflag:s24], $0x800  }
0x20e: {  	[sflag:s24] =	ssyncset.done $0x0  }
0x20f: {  	[sflag:s24] =	ssyncadd.s32 $0xFFFFF800  }
0x210: {  	_ =	swait.ge [sflag:s26], $0x2000  }
0x211: {  	[sflag:s26] =	ssyncset.done $0x0  }
0x212: {  	[sflag:s26] =	ssyncadd.s32 $0xFFFFE000  }
0x213: {  	_ =	swait.ge [sflag:s26], $0x800  }
0x214: {  	[sflag:s26] =	ssyncset.done $0x0  }
0x215: {  	[sflag:s26] =	ssyncadd.s32 $0xFFFFF800  }
0x216: {  	[bflag:$0x0] =	sbarrier.arrive $0xFFFF  }
0x217: {  	[hbm:s25], [sflag:s30] =	dma.local [spmem:s31], $0x1400  }
0x218: {  	_ =	swait.ge [sflag:s16], $0x1400  }
0x219: {  	s28 =	sadd.s32 $0x1, s28;
	s0 =	rddreg [dreg:$0x6]  }
0x21a: {  	p0 =	sne.s32 s28, s0  }
.Ltmp7:
0x21b: {  	_ = 	snop;
	(pc) =	sbr.rel @p0 .LBB2_1-.Ltmp7, $3  }
0x21c: {  	_ =	sdelay $0x1  }
0x21d: {  	[sflag:s16] =	ssyncset.done $0x0  }
0x21e: {  	[sflag:s16] =	ssyncadd.s32 $0xFFFFEC00  }
0x21f: {  	_ =	sfence.sel $0x180000  }
0x220: {  	[bflag:$0x0] =	sbarrier.arrive $0xFFFF  }
0x221: {  	_ =	strace $0x90000047  }
0x222: {  	s0 =	stileid.u32;
	[bflag:$0x2] =	sbarrier.arrive $0xFFFF  }
0x223: {  	p0 =	sne.s32 s0, $0x0;
	s0 =	rddreg [dreg:$0x3]  }
0x224: {  	s0 =	sadd.s32 @!p0 $0x100000, s0  }
0x225: {  	[sflag:s0] =	ssyncadd.tile.s32 @!p0 $0x1;
	_ =	shalt  }
.Lfunc_end2:
_tile_overlayer_lowered:
.L_overlay_start_2:
0x226: {  	(tag) =	ssettag $0x2  }
0x227: {  	s0 =	rddreg [dreg:$0x0];
	s2 =	stileid.u32  }
0x228: {  	s1 =	rddreg [dreg:$0x1];
	p0 =	sne.s32 s2, $0x0  }
0x229: {  	s3 =	rddreg [dreg:$0x2];
	[bflag:$0x3] =	sbarrier.arrive $0xFFFF;
	s2 =	simm.s32 @!p0 $0x1C03  }
0x22a: {  	[timem:s3], [sflag:s2] =	dma.local @!p0 [hbm:s0], s1  }
0x22b: {  	s0 =	simm.s32 @!p0 $0x3  }
0x22c: {  	_ =	swait.ge @!p0 [sflag:s0], s1  }
0x22d: {  	s1 =	ssub.s32 @!p0 $0x0, s1;
	[sflag:s0] =	ssyncset.done @!p0 $0x0  }
0x22e: {  	[sflag:s0] =	ssyncadd.s32 @!p0 s1  }
0x22f: {  	[bflag:$0x3] =	sbarrier.arrive $0xFFFF  }
0x230: {  	_ =	shalt  }

</sc_bundles>
